<compile_context>
chip_gen: v7x
topology: tpu7x:2x2x1
jax: 0.10.2.dev20260603
libtpu: 0.0.44.dev20260713+nightly
codegen_flags: <defaults>
</compile_context>

<pallas_src>
import functools

import jax
import jax.numpy as jnp
from jax import lax
from jax.experimental import pallas as pl
from jax.experimental.pallas import tpu as pltpu
from jax.experimental.pallas import tpu_sc as plsc

_B = 16384
_D = 128
_C = 1000
_NC = 2
_NS = 16
_NW = _NC * _NS
_RPW = _B // _NW
_CH = 128
_NCH = _RPW // _CH
_NBUF = 3
_LANES = 16
_JV = _D // _LANES
_CPT = 64


def _sc_body(latent_hbm, labels_hbm, centers_hbm, out_hbm, lab_v,
             res_v, cen_sh, out_sem, stage_sem, *bufs_and_sems):
    lat_bufs = bufs_and_sems[:_NBUF]
    cen_bufs = bufs_and_sems[_NBUF:2 * _NBUF]
    fill_sems = bufs_and_sems[2 * _NBUF:3 * _NBUF]
    gat_sems = bufs_and_sems[3 * _NBUF:]
    sid = lax.axis_index("s")
    wid = sid * _NC + lax.axis_index("c")

    def fill(ch):
        b = ch % _NBUF
        row0 = wid * _RPW + ch * _CH
        return pltpu.async_copy(
            latent_hbm.at[pl.ds(row0, _CH)], lat_bufs[b], fill_sems[b])

    def gather(ch):
        b = ch % _NBUF
        return pltpu.async_copy(
            cen_sh.at[lab_v.at[pl.ds(ch * _CH, _CH)]], cen_bufs[b],
            gat_sems[b])

    fills = {ch: fill(ch) for ch in range(_NBUF)}

    base = jnp.minimum(sid * _CPT, _C - _CPT)
    lab_copy = pltpu.async_copy(
        labels_hbm.at[pl.ds(wid * _RPW, _RPW)], lab_v, stage_sem)
    stg_copy = pltpu.async_copy(
        centers_hbm.at[pl.ds(base, _CPT)], cen_sh.at[pl.ds(base, _CPT)],
        stage_sem)

    accs = tuple(jnp.zeros((_LANES,), jnp.float32) for _ in range(_JV))

    lab_copy.wait()
    stg_copy.wait()
    plsc.subcore_barrier()
    gats = {ch: gather(ch) for ch in range(_NBUF)}
    for ch in range(_NCH):
        b = ch % _NBUF
        fills.pop(ch).wait()
        gats.pop(ch).wait()
        lat_v, cen_v = lat_bufs[b], cen_bufs[b]

        @plsc.parallel_loop(0, _CH, 1, unroll=4, carry=accs)
        def row_loop(r, acc_in):
            new = []
            for j in range(_JV):
                lt = lat_v[r, pl.ds(j * _LANES, _LANES)]
                cn = cen_v[r, pl.ds(j * _LANES, _LANES)]
                d = lt - cn
                new.append(acc_in[j] + d * d)
            return tuple(new)

        accs = row_loop
        if ch + _NBUF < _NCH:
            fills[ch + _NBUF] = fill(ch + _NBUF)
            gats[ch + _NBUF] = gather(ch + _NBUF)

    total = accs[0]
    for j in range(1, _JV):
        total = total + accs[j]
    res_v[...] = total
    pltpu.async_copy(res_v, out_hbm.at[wid], out_sem).wait()


@jax.jit
def _center_loss_partials(latent, labels1d, centers):
    mesh = plsc.VectorSubcoreMesh(core_axis_name="c", subcore_axis_name="s")
    run = functools.partial(
        pl.kernel,
        out_type=jax.ShapeDtypeStruct((_NW, _LANES), jnp.float32),
        mesh=mesh,
        scratch_types=(
            [
                pltpu.VMEM((_RPW,), jnp.int32),
                pltpu.VMEM((_LANES,), jnp.float32),
                pltpu.VMEM_SHARED((_C, _D), jnp.float32),
                pltpu.SemaphoreType.DMA,
                pltpu.SemaphoreType.DMA,
            ]
            + [pltpu.VMEM((_CH, _D), jnp.float32) for _ in range(2 * _NBUF)]
            + [pltpu.SemaphoreType.DMA for _ in range(2 * _NBUF)]
        ),
    )(_sc_body)
    return run(latent, labels1d, centers)


def kernel(latent, labels, centers):
    partials = _center_loss_partials(latent, labels.astype(jnp.int32), centers)
    return jnp.sum(partials) / jnp.float32(_B)

# --- scband reference (transcript-rebuilt; emitter-appended) ---
"""Pipeline reference for scband-center-loss-86844238725475 (READ-ONLY COPY).

The authoritative reference and input builder live on the scoring server;
editing this copy changes nothing except your own understanding.
"""

import jax, jax.numpy as jnp
import numpy as np

NUM_CLASSES = 1000
LATENT_DIM = 128
BATCH = 16384
ALPHA = 0.5


def setup_inputs(seed: int = 0) -> dict:
    key = jax.random.key(seed)
    k1, k2, k3 = jax.random.split(key, 3)
    latent = jax.random.normal(k1, (BATCH, LATENT_DIM), dtype=jnp.float32)
    labels = jax.random.randint(k2, (BATCH,), 0, NUM_CLASSES)
    centers = jax.random.normal(k3, (NUM_CLASSES, LATENT_DIM), dtype=jnp.float32) * 0.01
    return {"latent": latent, "labels": labels, "centers": centers}


def reference(latent, labels, centers):
    # batch_centers = self.centers[labels]  -> gather
    batch_centers = jnp.take(centers, labels, axis=0)
    # loss = ((latent - batch_centers) ** 2).sum(dim=1).mean()
    loss = jnp.mean(jnp.sum((latent - batch_centers) ** 2, axis=1))
    return loss

if __name__ == "__main__":
    import jax
    _d = setup_inputs()
    print(jax.jit(kernel)(*tuple(_d.values())))

</pallas_src>

<mosaic_0001>
#map = affine_map<(d0, d1) -> (0, 0)>
#map1 = affine_map<(d0, d1) -> (0)>
module attributes {stable_mosaic.version = 14 : i64} {
  func.func @_sc_body(%arg0: i32, %arg1: i32, %arg2: memref<16384x128xf32, #tpu.memory_space<hbm>>, %arg3: memref<16384xi32, #tpu.memory_space<hbm>>, %arg4: memref<1000x128xf32, #tpu.memory_space<hbm>>, %arg5: memref<32x16xf32, #tpu.memory_space<hbm>>, %arg6: memref<512xi32, #tpu.memory_space<vmem>>, %arg7: memref<16xf32, #tpu.memory_space<vmem>>, %arg8: memref<1000x128xf32, #tpu.memory_space<vmem_shared>>, %arg9: memref<!tpu.dma_semaphore, #tpu.memory_space<semaphore_mem>>, %arg10: memref<!tpu.dma_semaphore, #tpu.memory_space<semaphore_mem>>, %arg11: memref<128x128xf32, #tpu.memory_space<vmem>>, %arg12: memref<128x128xf32, #tpu.memory_space<vmem>>, %arg13: memref<128x128xf32, #tpu.memory_space<vmem>>, %arg14: memref<128x128xf32, #tpu.memory_space<vmem>>, %arg15: memref<128x128xf32, #tpu.memory_space<vmem>>, %arg16: memref<128x128xf32, #tpu.memory_space<vmem>>, %arg17: memref<!tpu.dma_semaphore, #tpu.memory_space<semaphore_mem>>, %arg18: memref<!tpu.dma_semaphore, #tpu.memory_space<semaphore_mem>>, %arg19: memref<!tpu.dma_semaphore, #tpu.memory_space<semaphore_mem>>, %arg20: memref<!tpu.dma_semaphore, #tpu.memory_space<semaphore_mem>>, %arg21: memref<!tpu.dma_semaphore, #tpu.memory_space<semaphore_mem>>, %arg22: memref<!tpu.dma_semaphore, #tpu.memory_space<semaphore_mem>>) attributes {dimension_semantics = [#tpu.dimension_semantics<core_parallel>, #tpu.dimension_semantics<subcore_parallel>], iteration_bounds = array<i64: 2, 16>, scalar_prefetch = 0 : i64, scratch_operands = 17 : i64, tpu.core_type = #tpu.core_type<sc_vector_subcore>, window_params = [{transform_indices = #map}, {transform_indices = #map1}, {transform_indices = #map}, {transform_indices = #map}]} {
    %mul3A = arith.constant 2 : i32
    %mul3A_0 = arith.muli %arg1, %mul3A : i32
    %add3A = arith.addi %mul3A_0, %arg0 : i32
    %mul3A_1 = arith.constant 512 : i32
    %mul3A_2 = arith.muli %add3A, %mul3A_1 : i32
    %add3A_3 = arith.constant 0 : i32
    %add3A_4 = arith.addi %mul3A_2, %add3A_3 : i32
    %dma_start3A = arith.constant 0 : i32
    %dma_start3A_5 = tpu.memref_slice %arg2[%add3A_4, %dma_start3A] : memref<16384x128xf32, #tpu.memory_space<hbm>> -> memref<128x128xf32, #tpu.memory_space<hbm>>
    %dma_start3A_6 = arith.constant 0 : i32
    %dma_start3A_7 = tpu.memref_slice %arg2[%add3A_4, %dma_start3A_6] : memref<16384x128xf32, #tpu.memory_space<hbm>> -> memref<128x128xf32, #tpu.memory_space<hbm>>
    tpu.enqueue_dma source(%dma_start3A_7 : memref<128x128xf32, #tpu.memory_space<hbm>>) target(%arg11 : memref<128x128xf32, #tpu.memory_space<vmem>>) target_semaphore(%arg17 : memref<!tpu.dma_semaphore, #tpu.memory_space<semaphore_mem>>)
    %mul3A_8 = arith.constant 512 : i32
    %mul3A_9 = arith.muli %add3A, %mul3A_8 : i32
    %add3A_10 = arith.constant 128 : i32
    %add3A_11 = arith.addi %mul3A_9, %add3A_10 : i32
    %dma_start3A_12 = arith.constant 0 : i32
    %dma_start3A_13 = tpu.memref_slice %arg2[%add3A_11, %dma_start3A_12] : memref<16384x128xf32, #tpu.memory_space<hbm>> -> memref<128x128xf32, #tpu.memory_space<hbm>>
    %dma_start3A_14 = arith.constant 0 : i32
    %dma_start3A_15 = tpu.memref_slice %arg2[%add3A_11, %dma_start3A_14] : memref<16384x128xf32, #tpu.memory_space<hbm>> -> memref<128x128xf32, #tpu.memory_space<hbm>>
    tpu.enqueue_dma source(%dma_start3A_15 : memref<128x128xf32, #tpu.memory_space<hbm>>) target(%arg12 : memref<128x128xf32, #tpu.memory_space<vmem>>) target_semaphore(%arg18 : memref<!tpu.dma_semaphore, #tpu.memory_space<semaphore_mem>>)
    %mul3A_16 = arith.constant 512 : i32
    %mul3A_17 = arith.muli %add3A, %mul3A_16 : i32
    %add3A_18 = arith.constant 256 : i32
    %add3A_19 = arith.addi %mul3A_17, %add3A_18 : i32
    %dma_start3A_20 = arith.constant 0 : i32
    %dma_start3A_21 = tpu.memref_slice %arg2[%add3A_19, %dma_start3A_20] : memref<16384x128xf32, #tpu.memory_space<hbm>> -> memref<128x128xf32, #tpu.memory_space<hbm>>
    %dma_start3A_22 = arith.constant 0 : i32
    %dma_start3A_23 = tpu.memref_slice %arg2[%add3A_19, %dma_start3A_22] : memref<16384x128xf32, #tpu.memory_space<hbm>> -> memref<128x128xf32, #tpu.memory_space<hbm>>
    tpu.enqueue_dma source(%dma_start3A_23 : memref<128x128xf32, #tpu.memory_space<hbm>>) target(%arg13 : memref<128x128xf32, #tpu.memory_space<vmem>>) target_semaphore(%arg19 : memref<!tpu.dma_semaphore, #tpu.memory_space<semaphore_mem>>)
    %mul3A_24 = arith.constant 64 : i32
    %mul3A_25 = arith.muli %arg1, %mul3A_24 : i32
    %min3A = arith.constant 936 : i32
    %min3A_26 = arith.minsi %mul3A_25, %min3A : i32
    %mul3A_27 = arith.constant 512 : i32
    %mul3A_28 = arith.muli %add3A, %mul3A_27 : i32
    %dma_start3A_29 = tpu.memref_slice %arg3[%mul3A_28] : memref<16384xi32, #tpu.memory_space<hbm>> -> memref<512xi32, #tpu.memory_space<hbm>>
    %dma_start3A_30 = tpu.memref_slice %arg3[%mul3A_28] : memref<16384xi32, #tpu.memory_space<hbm>> -> memref<512xi32, #tpu.memory_space<hbm>>
    tpu.enqueue_dma source(%dma_start3A_30 : memref<512xi32, #tpu.memory_space<hbm>>) target(%arg6 : memref<512xi32, #tpu.memory_space<vmem>>) target_semaphore(%arg10 : memref<!tpu.dma_semaphore, #tpu.memory_space<semaphore_mem>>)
    %dma_start3A_31 = arith.constant 0 : i32
    %dma_start3A_32 = tpu.memref_slice %arg8[%min3A_26, %dma_start3A_31] : memref<1000x128xf32, #tpu.memory_space<vmem_shared>> -> memref<64x128xf32, #tpu.memory_space<vmem_shared>>
    %dma_start3A_33 = arith.constant 0 : i32
    %dma_start3A_34 = tpu.memref_slice %arg4[%min3A_26, %dma_start3A_33] : memref<1000x128xf32, #tpu.memory_space<hbm>> -> memref<64x128xf32, #tpu.memory_space<hbm>>
    tpu.enqueue_dma source(%dma_start3A_34 : memref<64x128xf32, #tpu.memory_space<hbm>>) target(%dma_start3A_32 : memref<64x128xf32, #tpu.memory_space<vmem_shared>>) target_semaphore(%arg10 : memref<!tpu.dma_semaphore, #tpu.memory_space<semaphore_mem>>)
    %broadcast_in_dim3A = arith.constant 0.000000e+00 : f32
    %broadcast_in_dim3A_35 = vector.broadcast %broadcast_in_dim3A : f32 to vector<16xf32>
    %broadcast_in_dim3A_36 = arith.constant 0.000000e+00 : f32
    %broadcast_in_dim3A_37 = vector.broadcast %broadcast_in_dim3A_36 : f32 to vector<16xf32>
    %broadcast_in_dim3A_38 = arith.constant 0.000000e+00 : f32
    %broadcast_in_dim3A_39 = vector.broadcast %broadcast_in_dim3A_38 : f32 to vector<16xf32>
    %broadcast_in_dim3A_40 = arith.constant 0.000000e+00 : f32
    %broadcast_in_dim3A_41 = vector.broadcast %broadcast_in_dim3A_40 : f32 to vector<16xf32>
    %broadcast_in_dim3A_42 = arith.constant 0.000000e+00 : f32
    %broadcast_in_dim3A_43 = vector.broadcast %broadcast_in_dim3A_42 : f32 to vector<16xf32>
    %broadcast_in_dim3A_44 = arith.constant 0.000000e+00 : f32
    %broadcast_in_dim3A_45 = vector.broadcast %broadcast_in_dim3A_44 : f32 to vector<16xf32>
    %broadcast_in_dim3A_46 = arith.constant 0.000000e+00 : f32
    %broadcast_in_dim3A_47 = vector.broadcast %broadcast_in_dim3A_46 : f32 to vector<16xf32>
    %broadcast_in_dim3A_48 = arith.constant 0.000000e+00 : f32
    %broadcast_in_dim3A_49 = vector.broadcast %broadcast_in_dim3A_48 : f32 to vector<16xf32>
    %dma_wait3A = tpu.memref_slice %arg3[%mul3A_28] : memref<16384xi32, #tpu.memory_space<hbm>> -> memref<512xi32, #tpu.memory_space<hbm>>
    %dma_wait3A_50 = tpu.memref_slice %arg3[%mul3A_28] : memref<16384xi32, #tpu.memory_space<hbm>> -> memref<512xi32, #tpu.memory_space<hbm>>
    tpu.wait_dma2 semaphore(%arg10 : memref<!tpu.dma_semaphore, #tpu.memory_space<semaphore_mem>>) src(%dma_wait3A_50 : memref<512xi32, #tpu.memory_space<hbm>>) dst(%arg6 : memref<512xi32, #tpu.memory_space<vmem>>)
    %dma_wait3A_51 = arith.constant 0 : i32
    %dma_wait3A_52 = tpu.memref_slice %arg8[%min3A_26, %dma_wait3A_51] : memref<1000x128xf32, #tpu.memory_space<vmem_shared>> -> memref<64x128xf32, #tpu.memory_space<vmem_shared>>
    %dma_wait3A_53 = arith.constant 0 : i32
    %dma_wait3A_54 = tpu.memref_slice %arg4[%min3A_26, %dma_wait3A_53] : memref<1000x128xf32, #tpu.memory_space<hbm>> -> memref<64x128xf32, #tpu.memory_space<hbm>>
    tpu.wait_dma2 semaphore(%arg10 : memref<!tpu.dma_semaphore, #tpu.memory_space<semaphore_mem>>) src(%dma_wait3A_54 : memref<64x128xf32, #tpu.memory_space<hbm>>) dst(%dma_wait3A_52 : memref<64x128xf32, #tpu.memory_space<vmem_shared>>)
    %barrier3A = arith.constant 0 : index
    tpu.barrier barrier_id(%barrier3A)
    %dma_start3A_55 = arith.constant 0 : i32
    %dma_start3A_56 = tpu.memref_slice %arg6[%dma_start3A_55] : memref<512xi32, #tpu.memory_space<vmem>> -> memref<128xi32, #tpu.memory_space<vmem>>
    %dma_start3A_57 = arith.constant 0 : i32
    %dma_start3A_58 = arith.constant 0 : i32
    %dma_start3A_59 = tpu.memref_slice %arg8[%dma_start3A_57, %dma_start3A_58] : memref<1000x128xf32, #tpu.memory_space<vmem_shared>> -> memref<1000x128xf32, #tpu.memory_space<vmem_shared>>
    tpu.enqueue_indirect_dma source(%dma_start3A_59 : memref<1000x128xf32, #tpu.memory_space<vmem_shared>>) target(%arg14 : memref<128x128xf32, #tpu.memory_space<vmem>>) offsets(%dma_start3A_56 : memref<128xi32, #tpu.memory_space<vmem>>) semaphore(%arg20 : memref<!tpu.dma_semaphore, #tpu.memory_space<semaphore_mem>>)
    %dma_start3A_60 = arith.constant 128 : i32
    %dma_start3A_61 = tpu.memref_slice %arg6[%dma_start3A_60] : memref<512xi32, #tpu.memory_space<vmem>> -> memref<128xi32, #tpu.memory_space<vmem>>
    %dma_start3A_62 = arith.constant 0 : i32
    %dma_start3A_63 = arith.constant 0 : i32
    %dma_start3A_64 = tpu.memref_slice %arg8[%dma_start3A_62, %dma_start3A_63] : memref<1000x128xf32, #tpu.memory_space<vmem_shared>> -> memref<1000x128xf32, #tpu.memory_space<vmem_shared>>
    tpu.enqueue_indirect_dma source(%dma_start3A_64 : memref<1000x128xf32, #tpu.memory_space<vmem_shared>>) target(%arg15 : memref<128x128xf32, #tpu.memory_space<vmem>>) offsets(%dma_start3A_61 : memref<128xi32, #tpu.memory_space<vmem>>) semaphore(%arg21 : memref<!tpu.dma_semaphore, #tpu.memory_space<semaphore_mem>>)
    %dma_start3A_65 = arith.constant 256 : i32
    %dma_start3A_66 = tpu.memref_slice %arg6[%dma_start3A_65] : memref<512xi32, #tpu.memory_space<vmem>> -> memref<128xi32, #tpu.memory_space<vmem>>
    %dma_start3A_67 = arith.constant 0 : i32
    %dma_start3A_68 = arith.constant 0 : i32
    %dma_start3A_69 = tpu.memref_slice %arg8[%dma_start3A_67, %dma_start3A_68] : memref<1000x128xf32, #tpu.memory_space<vmem_shared>> -> memref<1000x128xf32, #tpu.memory_space<vmem_shared>>
    tpu.enqueue_indirect_dma source(%dma_start3A_69 : memref<1000x128xf32, #tpu.memory_space<vmem_shared>>) target(%arg16 : memref<128x128xf32, #tpu.memory_space<vmem>>) offsets(%dma_start3A_66 : memref<128xi32, #tpu.memory_space<vmem>>) semaphore(%arg22 : memref<!tpu.dma_semaphore, #tpu.memory_space<semaphore_mem>>)
    %dma_wait3A_70 = arith.constant 0 : i32
    %dma_wait3A_71 = tpu.memref_slice %arg2[%add3A_4, %dma_wait3A_70] : memref<16384x128xf32, #tpu.memory_space<hbm>> -> memref<128x128xf32, #tpu.memory_space<hbm>>
    %dma_wait3A_72 = arith.constant 0 : i32
    %dma_wait3A_73 = tpu.memref_slice %arg2[%add3A_4, %dma_wait3A_72] : memref<16384x128xf32, #tpu.memory_space<hbm>> -> memref<128x128xf32, #tpu.memory_space<hbm>>
    tpu.wait_dma2 semaphore(%arg17 : memref<!tpu.dma_semaphore, #tpu.memory_space<semaphore_mem>>) src(%dma_wait3A_73 : memref<128x128xf32, #tpu.memory_space<hbm>>) dst(%arg11 : memref<128x128xf32, #tpu.memory_space<vmem>>)
    %dma_wait3A_74 = arith.constant 0 : i32
    %dma_wait3A_75 = tpu.memref_slice %arg6[%dma_wait3A_74] : memref<512xi32, #tpu.memory_space<vmem>> -> memref<128xi32, #tpu.memory_space<vmem>>
    %dma_wait3A_76 = arith.constant 0 : i32
    %dma_wait3A_77 = arith.constant 0 : i32
    %dma_wait3A_78 = tpu.memref_slice %arg8[%dma_wait3A_76, %dma_wait3A_77] : memref<1000x128xf32, #tpu.memory_space<vmem_shared>> -> memref<1000x128xf32, #tpu.memory_space<vmem_shared>>
    tpu.wait_indirect_dma semaphore(%arg20 : memref<!tpu.dma_semaphore, #tpu.memory_space<semaphore_mem>>) src(%dma_wait3A_78 : memref<1000x128xf32, #tpu.memory_space<vmem_shared>>) dst(%arg14 : memref<128x128xf32, #tpu.memory_space<vmem>>)
    %parallel_loop3A = arith.constant 0 : i32
    %parallel_loop3A_79 = arith.constant 128 : i32
    %parallel_loop3A_80 = arith.constant 1 : i32
    %parallel_loop3A_81:8 = scf.for %parallel_loop3A_156 = %parallel_loop3A to %parallel_loop3A_79 step %parallel_loop3A_80 iter_args(%parallel_loop3A_157 = %broadcast_in_dim3A_35, %parallel_loop3A_158 = %broadcast_in_dim3A_37, %parallel_loop3A_159 = %broadcast_in_dim3A_39, %parallel_loop3A_160 = %broadcast_in_dim3A_41, %parallel_loop3A_161 = %broadcast_in_dim3A_43, %parallel_loop3A_162 = %broadcast_in_dim3A_45, %parallel_loop3A_163 = %broadcast_in_dim3A_47, %parallel_loop3A_164 = %broadcast_in_dim3A_49) -> (vector<16xf32>, vector<16xf32>, vector<16xf32>, vector<16xf32>, vector<16xf32>, vector<16xf32>, vector<16xf32>, vector<16xf32>)  : i32 {
      %parallel_loop3A_165 = arith.index_cast %parallel_loop3A_156 : i32 to index
      %parallel_loop3A_166 = arith.constant 0 : index
      %parallel_loop3A_167 = tpu.vector_load %arg11[%parallel_loop3A_165, %parallel_loop3A_166] {strides = array<i32>} : memref<128x128xf32, #tpu.memory_space<vmem>>, vector<1x16xf32>,
      %parallel_loop3A_168 = vector.shape_cast %parallel_loop3A_167 : vector<1x16xf32> to vector<16xf32>
      %parallel_loop3A_169 = arith.index_cast %parallel_loop3A_156 : i32 to index
      %parallel_loop3A_170 = arith.constant 0 : index
      %parallel_loop3A_171 = tpu.vector_load %arg14[%parallel_loop3A_169, %parallel_loop3A_170] {strides = array<i32>} : memref<128x128xf32, #tpu.memory_space<vmem>>, vector<1x16xf32>,
      %parallel_loop3A_172 = vector.shape_cast %parallel_loop3A_171 : vector<1x16xf32> to vector<16xf32>
      %parallel_loop3A_173 = arith.subf %parallel_loop3A_168, %parallel_loop3A_172 : vector<16xf32>
      %parallel_loop3A_174 = arith.mulf %parallel_loop3A_173, %parallel_loop3A_173 : vector<16xf32>
      %parallel_loop3A_175 = arith.addf %parallel_loop3A_157, %parallel_loop3A_174 : vector<16xf32>
      %parallel_loop3A_176 = arith.index_cast %parallel_loop3A_156 : i32 to index
      %parallel_loop3A_177 = arith.constant 16 : index
      %parallel_loop3A_178 = tpu.vector_load %arg11[%parallel_loop3A_176, %parallel_loop3A_177] {strides = array<i32>} : memref<128x128xf32, #tpu.memory_space<vmem>>, vector<1x16xf32>,
      %parallel_loop3A_179 = vector.shape_cast %parallel_loop3A_178 : vector<1x16xf32> to vector<16xf32>
      %parallel_loop3A_180 = arith.index_cast %parallel_loop3A_156 : i32 to index
      %parallel_loop3A_181 = arith.constant 16 : index
      %parallel_loop3A_182 = tpu.vector_load %arg14[%parallel_loop3A_180, %parallel_loop3A_181] {strides = array<i32>} : memref<128x128xf32, #tpu.memory_space<vmem>>, vector<1x16xf32>,
      %parallel_loop3A_183 = vector.shape_cast %parallel_loop3A_182 : vector<1x16xf32> to vector<16xf32>
      %parallel_loop3A_184 = arith.subf %parallel_loop3A_179, %parallel_loop3A_183 : vector<16xf32>
      %parallel_loop3A_185 = arith.mulf %parallel_loop3A_184, %parallel_loop3A_184 : vector<16xf32>
      %parallel_loop3A_186 = arith.addf %parallel_loop3A_158, %parallel_loop3A_185 : vector<16xf32>
      %parallel_loop3A_187 = arith.index_cast %parallel_loop3A_156 : i32 to index
      %parallel_loop3A_188 = arith.constant 32 : index
      %parallel_loop3A_189 = tpu.vector_load %arg11[%parallel_loop3A_187, %parallel_loop3A_188] {strides = array<i32>} : memref<128x128xf32, #tpu.memory_space<vmem>>, vector<1x16xf32>,
      %parallel_loop3A_190 = vector.shape_cast %parallel_loop3A_189 : vector<1x16xf32> to vector<16xf32>
      %parallel_loop3A_191 = arith.index_cast %parallel_loop3A_156 : i32 to index
      %parallel_loop3A_192 = arith.constant 32 : index
      %parallel_loop3A_193 = tpu.vector_load %arg14[%parallel_loop3A_191, %parallel_loop3A_192] {strides = array<i32>} : memref<128x128xf32, #tpu.memory_space<vmem>>, vector<1x16xf32>,
      %parallel_loop3A_194 = vector.shape_cast %parallel_loop3A_193 : vector<1x16xf32> to vector<16xf32>
      %parallel_loop3A_195 = arith.subf %parallel_loop3A_190, %parallel_loop3A_194 : vector<16xf32>
      %parallel_loop3A_196 = arith.mulf %parallel_loop3A_195, %parallel_loop3A_195 : vector<16xf32>
      %parallel_loop3A_197 = arith.addf %parallel_loop3A_159, %parallel_loop3A_196 : vector<16xf32>
      %parallel_loop3A_198 = arith.index_cast %parallel_loop3A_156 : i32 to index
      %parallel_loop3A_199 = arith.constant 48 : index
      %parallel_loop3A_200 = tpu.vector_load %arg11[%parallel_loop3A_198, %parallel_loop3A_199] {strides = array<i32>} : memref<128x128xf32, #tpu.memory_space<vmem>>, vector<1x16xf32>,
      %parallel_loop3A_201 = vector.shape_cast %parallel_loop3A_200 : vector<1x16xf32> to vector<16xf32>
      %parallel_loop3A_202 = arith.index_cast %parallel_loop3A_156 : i32 to index
      %parallel_loop3A_203 = arith.constant 48 : index
      %parallel_loop3A_204 = tpu.vector_load %arg14[%parallel_loop3A_202, %parallel_loop3A_203] {strides = array<i32>} : memref<128x128xf32, #tpu.memory_space<vmem>>, vector<1x16xf32>,
      %parallel_loop3A_205 = vector.shape_cast %parallel_loop3A_204 : vector<1x16xf32> to vector<16xf32>
      %parallel_loop3A_206 = arith.subf %parallel_loop3A_201, %parallel_loop3A_205 : vector<16xf32>
      %parallel_loop3A_207 = arith.mulf %parallel_loop3A_206, %parallel_loop3A_206 : vector<16xf32>
      %parallel_loop3A_208 = arith.addf %parallel_loop3A_160, %parallel_loop3A_207 : vector<16xf32>
      %parallel_loop3A_209 = arith.index_cast %parallel_loop3A_156 : i32 to index
      %parallel_loop3A_210 = arith.constant 64 : index
      %parallel_loop3A_211 = tpu.vector_load %arg11[%parallel_loop3A_209, %parallel_loop3A_210] {strides = array<i32>} : memref<128x128xf32, #tpu.memory_space<vmem>>, vector<1x16xf32>,
      %parallel_loop3A_212 = vector.shape_cast %parallel_loop3A_211 : vector<1x16xf32> to vector<16xf32>
      %parallel_loop3A_213 = arith.index_cast %parallel_loop3A_156 : i32 to index
      %parallel_loop3A_214 = arith.constant 64 : index
      %parallel_loop3A_215 = tpu.vector_load %arg14[%parallel_loop3A_213, %parallel_loop3A_214] {strides = array<i32>} : memref<128x128xf32, #tpu.memory_space<vmem>>, vector<1x16xf32>,
      %parallel_loop3A_216 = vector.shape_cast %parallel_loop3A_215 : vector<1x16xf32> to vector<16xf32>
      %parallel_loop3A_217 = arith.subf %parallel_loop3A_212, %parallel_loop3A_216 : vector<16xf32>
      %parallel_loop3A_218 = arith.mulf %parallel_loop3A_217, %parallel_loop3A_217 : vector<16xf32>
      %parallel_loop3A_219 = arith.addf %parallel_loop3A_161, %parallel_loop3A_218 : vector<16xf32>
      %parallel_loop3A_220 = arith.index_cast %parallel_loop3A_156 : i32 to index
      %parallel_loop3A_221 = arith.constant 80 : index
      %parallel_loop3A_222 = tpu.vector_load %arg11[%parallel_loop3A_220, %parallel_loop3A_221] {strides = array<i32>} : memref<128x128xf32, #tpu.memory_space<vmem>>, vector<1x16xf32>,
      %parallel_loop3A_223 = vector.shape_cast %parallel_loop3A_222 : vector<1x16xf32> to vector<16xf32>
      %parallel_loop3A_224 = arith.index_cast %parallel_loop3A_156 : i32 to index
      %parallel_loop3A_225 = arith.constant 80 : index
      %parallel_loop3A_226 = tpu.vector_load %arg14[%parallel_loop3A_224, %parallel_loop3A_225] {strides = array<i32>} : memref<128x128xf32, #tpu.memory_space<vmem>>, vector<1x16xf32>,
      %parallel_loop3A_227 = vector.shape_cast %parallel_loop3A_226 : vector<1x16xf32> to vector<16xf32>
      %parallel_loop3A_228 = arith.subf %parallel_loop3A_223, %parallel_loop3A_227 : vector<16xf32>
      %parallel_loop3A_229 = arith.mulf %parallel_loop3A_228, %parallel_loop3A_228 : vector<16xf32>
      %parallel_loop3A_230 = arith.addf %parallel_loop3A_162, %parallel_loop3A_229 : vector<16xf32>
      %parallel_loop3A_231 = arith.index_cast %parallel_loop3A_156 : i32 to index
      %parallel_loop3A_232 = arith.constant 96 : index
      %parallel_loop3A_233 = tpu.vector_load %arg11[%parallel_loop3A_231, %parallel_loop3A_232] {strides = array<i32>} : memref<128x128xf32, #tpu.memory_space<vmem>>, vector<1x16xf32>,
      %parallel_loop3A_234 = vector.shape_cast %parallel_loop3A_233 : vector<1x16xf32> to vector<16xf32>
      %parallel_loop3A_235 = arith.index_cast %parallel_loop3A_156 : i32 to index
      %parallel_loop3A_236 = arith.constant 96 : index
      %parallel_loop3A_237 = tpu.vector_load %arg14[%parallel_loop3A_235, %parallel_loop3A_236] {strides = array<i32>} : memref<128x128xf32, #tpu.memory_space<vmem>>, vector<1x16xf32>,
      %parallel_loop3A_238 = vector.shape_cast %parallel_loop3A_237 : vector<1x16xf32> to vector<16xf32>
      %parallel_loop3A_239 = arith.subf %parallel_loop3A_234, %parallel_loop3A_238 : vector<16xf32>
      %parallel_loop3A_240 = arith.mulf %parallel_loop3A_239, %parallel_loop3A_239 : vector<16xf32>
      %parallel_loop3A_241 = arith.addf %parallel_loop3A_163, %parallel_loop3A_240 : vector<16xf32>
      %parallel_loop3A_242 = arith.index_cast %parallel_loop3A_156 : i32 to index
      %parallel_loop3A_243 = arith.constant 112 : index
      %parallel_loop3A_244 = tpu.vector_load %arg11[%parallel_loop3A_242, %parallel_loop3A_243] {strides = array<i32>} : memref<128x128xf32, #tpu.memory_space<vmem>>, vector<1x16xf32>,
      %parallel_loop3A_245 = vector.shape_cast %parallel_loop3A_244 : vector<1x16xf32> to vector<16xf32>
      %parallel_loop3A_246 = arith.index_cast %parallel_loop3A_156 : i32 to index
      %parallel_loop3A_247 = arith.constant 112 : index
      %parallel_loop3A_248 = tpu.vector_load %arg14[%parallel_loop3A_246, %parallel_loop3A_247] {strides = array<i32>} : memref<128x128xf32, #tpu.memory_space<vmem>>, vector<1x16xf32>,
      %parallel_loop3A_249 = vector.shape_cast %parallel_loop3A_248 : vector<1x16xf32> to vector<16xf32>
      %parallel_loop3A_250 = arith.subf %parallel_loop3A_245, %parallel_loop3A_249 : vector<16xf32>
      %parallel_loop3A_251 = arith.mulf %parallel_loop3A_250, %parallel_loop3A_250 : vector<16xf32>
      %parallel_loop3A_252 = arith.addf %parallel_loop3A_164, %parallel_loop3A_251 : vector<16xf32>
      scf.yield %parallel_loop3A_175, %parallel_loop3A_186, %parallel_loop3A_197, %parallel_loop3A_208, %parallel_loop3A_219, %parallel_loop3A_230, %parallel_loop3A_241, %parallel_loop3A_252 : vector<16xf32>, vector<16xf32>, vector<16xf32>, vector<16xf32>, vector<16xf32>, vector<16xf32>, vector<16xf32>, vector<16xf32>
    } {sc.loop_unroll_factor = 4 : i64, sc.parallel_access}
    %mul3A_82 = arith.constant 512 : i32
    %mul3A_83 = arith.muli %add3A, %mul3A_82 : i32
    %add3A_84 = arith.constant 384 : i32
    %add3A_85 = arith.addi %mul3A_83, %add3A_84 : i32
    %dma_start3A_86 = arith.constant 0 : i32
    %dma_start3A_87 = tpu.memref_slice %arg2[%add3A_85, %dma_start3A_86] : memref<16384x128xf32, #tpu.memory_space<hbm>> -> memref<128x128xf32, #tpu.memory_space<hbm>>
    %dma_start3A_88 = arith.constant 0 : i32
    %dma_start3A_89 = tpu.memref_slice %arg2[%add3A_85, %dma_start3A_88] : memref<16384x128xf32, #tpu.memory_space<hbm>> -> memref<128x128xf32, #tpu.memory_space<hbm>>
    tpu.enqueue_dma source(%dma_start3A_89 : memref<128x128xf32, #tpu.memory_space<hbm>>) target(%arg11 : memref<128x128xf32, #tpu.memory_space<vmem>>) target_semaphore(%arg17 : memref<!tpu.dma_semaphore, #tpu.memory_space<semaphore_mem>>)
    %dma_start3A_90 = arith.constant 384 : i32
    %dma_start3A_91 = tpu.memref_slice %arg6[%dma_start3A_90] : memref<512xi32, #tpu.memory_space<vmem>> -> memref<128xi32, #tpu.memory_space<vmem>>
    %dma_start3A_92 = arith.constant 0 : i32
    %dma_start3A_93 = arith.constant 0 : i32
    %dma_start3A_94 = tpu.memref_slice %arg8[%dma_start3A_92, %dma_start3A_93] : memref<1000x128xf32, #tpu.memory_space<vmem_shared>> -> memref<1000x128xf32, #tpu.memory_space<vmem_shared>>
    tpu.enqueue_indirect_dma source(%dma_start3A_94 : memref<1000x128xf32, #tpu.memory_space<vmem_shared>>) target(%arg14 : memref<128x128xf32, #tpu.memory_space<vmem>>) offsets(%dma_start3A_91 : memref<128xi32, #tpu.memory_space<vmem>>) semaphore(%arg20 : memref<!tpu.dma_semaphore, #tpu.memory_space<semaphore_mem>>)
    %dma_wait3A_95 = arith.constant 0 : i32
    %dma_wait3A_96 = tpu.memref_slice %arg2[%add3A_11, %dma_wait3A_95] : memref<16384x128xf32, #tpu.memory_space<hbm>> -> memref<128x128xf32, #tpu.memory_space<hbm>>
    %dma_wait3A_97 = arith.constant 0 : i32
    %dma_wait3A_98 = tpu.memref_slice %arg2[%add3A_11, %dma_wait3A_97] : memref<16384x128xf32, #tpu.memory_space<hbm>> -> memref<128x128xf32, #tpu.memory_space<hbm>>
    tpu.wait_dma2 semaphore(%arg18 : memref<!tpu.dma_semaphore, #tpu.memory_space<semaphore_mem>>) src(%dma_wait3A_98 : memref<128x128xf32, #tpu.memory_space<hbm>>) dst(%arg12 : memref<128x128xf32, #tpu.memory_space<vmem>>)
    %dma_wait3A_99 = arith.constant 128 : i32
    %dma_wait3A_100 = tpu.memref_slice %arg6[%dma_wait3A_99] : memref<512xi32, #tpu.memory_space<vmem>> -> memref<128xi32, #tpu.memory_space<vmem>>
    %dma_wait3A_101 = arith.constant 0 : i32
    %dma_wait3A_102 = arith.constant 0 : i32
    %dma_wait3A_103 = tpu.memref_slice %arg8[%dma_wait3A_101, %dma_wait3A_102] : memref<1000x128xf32, #tpu.memory_space<vmem_shared>> -> memref<1000x128xf32, #tpu.memory_space<vmem_shared>>
    tpu.wait_indirect_dma semaphore(%arg21 : memref<!tpu.dma_semaphore, #tpu.memory_space<semaphore_mem>>) src(%dma_wait3A_103 : memref<1000x128xf32, #tpu.memory_space<vmem_shared>>) dst(%arg15 : memref<128x128xf32, #tpu.memory_space<vmem>>)
    %parallel_loop3A_104 = arith.constant 0 : i32
    %parallel_loop3A_105 = arith.constant 128 : i32
    %parallel_loop3A_106 = arith.constant 1 : i32
    %parallel_loop3A_107:8 = scf.for %parallel_loop3A_156 = %parallel_loop3A_104 to %parallel_loop3A_105 step %parallel_loop3A_106 iter_args(%parallel_loop3A_157 = %parallel_loop3A_81#0, %parallel_loop3A_158 = %parallel_loop3A_81#1, %parallel_loop3A_159 = %parallel_loop3A_81#2, %parallel_loop3A_160 = %parallel_loop3A_81#3, %parallel_loop3A_161 = %parallel_loop3A_81#4, %parallel_loop3A_162 = %parallel_loop3A_81#5, %parallel_loop3A_163 = %parallel_loop3A_81#6, %parallel_loop3A_164 = %parallel_loop3A_81#7) -> (vector<16xf32>, vector<16xf32>, vector<16xf32>, vector<16xf32>, vector<16xf32>, vector<16xf32>, vector<16xf32>, vector<16xf32>)  : i32 {
      %parallel_loop3A_165 = arith.index_cast %parallel_loop3A_156 : i32 to index
      %parallel_loop3A_166 = arith.constant 0 : index
      %parallel_loop3A_167 = tpu.vector_load %arg12[%parallel_loop3A_165, %parallel_loop3A_166] {strides = array<i32>} : memref<128x128xf32, #tpu.memory_space<vmem>>, vector<1x16xf32>,
      %parallel_loop3A_168 = vector.shape_cast %parallel_loop3A_167 : vector<1x16xf32> to vector<16xf32>
      %parallel_loop3A_169 = arith.index_cast %parallel_loop3A_156 : i32 to index
      %parallel_loop3A_170 = arith.constant 0 : index
      %parallel_loop3A_171 = tpu.vector_load %arg15[%parallel_loop3A_169, %parallel_loop3A_170] {strides = array<i32>} : memref<128x128xf32, #tpu.memory_space<vmem>>, vector<1x16xf32>,
      %parallel_loop3A_172 = vector.shape_cast %parallel_loop3A_171 : vector<1x16xf32> to vector<16xf32>
      %parallel_loop3A_173 = arith.subf %parallel_loop3A_168, %parallel_loop3A_172 : vector<16xf32>
      %parallel_loop3A_174 = arith.mulf %parallel_loop3A_173, %parallel_loop3A_173 : vector<16xf32>
      %parallel_loop3A_175 = arith.addf %parallel_loop3A_157, %parallel_loop3A_174 : vector<16xf32>
      %parallel_loop3A_176 = arith.index_cast %parallel_loop3A_156 : i32 to index
      %parallel_loop3A_177 = arith.constant 16 : index
      %parallel_loop3A_178 = tpu.vector_load %arg12[%parallel_loop3A_176, %parallel_loop3A_177] {strides = array<i32>} : memref<128x128xf32, #tpu.memory_space<vmem>>, vector<1x16xf32>,
      %parallel_loop3A_179 = vector.shape_cast %parallel_loop3A_178 : vector<1x16xf32> to vector<16xf32>
      %parallel_loop3A_180 = arith.index_cast %parallel_loop3A_156 : i32 to index
      %parallel_loop3A_181 = arith.constant 16 : index
      %parallel_loop3A_182 = tpu.vector_load %arg15[%parallel_loop3A_180, %parallel_loop3A_181] {strides = array<i32>} : memref<128x128xf32, #tpu.memory_space<vmem>>, vector<1x16xf32>,
      %parallel_loop3A_183 = vector.shape_cast %parallel_loop3A_182 : vector<1x16xf32> to vector<16xf32>
      %parallel_loop3A_184 = arith.subf %parallel_loop3A_179, %parallel_loop3A_183 : vector<16xf32>
      %parallel_loop3A_185 = arith.mulf %parallel_loop3A_184, %parallel_loop3A_184 : vector<16xf32>
      %parallel_loop3A_186 = arith.addf %parallel_loop3A_158, %parallel_loop3A_185 : vector<16xf32>
      %parallel_loop3A_187 = arith.index_cast %parallel_loop3A_156 : i32 to index
      %parallel_loop3A_188 = arith.constant 32 : index
      %parallel_loop3A_189 = tpu.vector_load %arg12[%parallel_loop3A_187, %parallel_loop3A_188] {strides = array<i32>} : memref<128x128xf32, #tpu.memory_space<vmem>>, vector<1x16xf32>,
      %parallel_loop3A_190 = vector.shape_cast %parallel_loop3A_189 : vector<1x16xf32> to vector<16xf32>
      %parallel_loop3A_191 = arith.index_cast %parallel_loop3A_156 : i32 to index
      %parallel_loop3A_192 = arith.constant 32 : index
      %parallel_loop3A_193 = tpu.vector_load %arg15[%parallel_loop3A_191, %parallel_loop3A_192] {strides = array<i32>} : memref<128x128xf32, #tpu.memory_space<vmem>>, vector<1x16xf32>,
      %parallel_loop3A_194 = vector.shape_cast %parallel_loop3A_193 : vector<1x16xf32> to vector<16xf32>
      %parallel_loop3A_195 = arith.subf %parallel_loop3A_190, %parallel_loop3A_194 : vector<16xf32>
      %parallel_loop3A_196 = arith.mulf %parallel_loop3A_195, %parallel_loop3A_195 : vector<16xf32>
      %parallel_loop3A_197 = arith.addf %parallel_loop3A_159, %parallel_loop3A_196 : vector<16xf32>
      %parallel_loop3A_198 = arith.index_cast %parallel_loop3A_156 : i32 to index
      %parallel_loop3A_199 = arith.constant 48 : index
      %parallel_loop3A_200 = tpu.vector_load %arg12[%parallel_loop3A_198, %parallel_loop3A_199] {strides = array<i32>} : memref<128x128xf32, #tpu.memory_space<vmem>>, vector<1x16xf32>,
      %parallel_loop3A_201 = vector.shape_cast %parallel_loop3A_200 : vector<1x16xf32> to vector<16xf32>
      %parallel_loop3A_202 = arith.index_cast %parallel_loop3A_156 : i32 to index
      %parallel_loop3A_203 = arith.constant 48 : index
      %parallel_loop3A_204 = tpu.vector_load %arg15[%parallel_loop3A_202, %parallel_loop3A_203] {strides = array<i32>} : memref<128x128xf32, #tpu.memory_space<vmem>>, vector<1x16xf32>,
      %parallel_loop3A_205 = vector.shape_cast %parallel_loop3A_204 : vector<1x16xf32> to vector<16xf32>
      %parallel_loop3A_206 = arith.subf %parallel_loop3A_201, %parallel_loop3A_205 : vector<16xf32>
      %parallel_loop3A_207 = arith.mulf %parallel_loop3A_206, %parallel_loop3A_206 : vector<16xf32>
      %parallel_loop3A_208 = arith.addf %parallel_loop3A_160, %parallel_loop3A_207 : vector<16xf32>
      %parallel_loop3A_209 = arith.index_cast %parallel_loop3A_156 : i32 to index
      %parallel_loop3A_210 = arith.constant 64 : index
      %parallel_loop3A_211 = tpu.vector_load %arg12[%parallel_loop3A_209, %parallel_loop3A_210] {strides = array<i32>} : memref<128x128xf32, #tpu.memory_space<vmem>>, vector<1x16xf32>,
      %parallel_loop3A_212 = vector.shape_cast %parallel_loop3A_211 : vector<1x16xf32> to vector<16xf32>
      %parallel_loop3A_213 = arith.index_cast %parallel_loop3A_156 : i32 to index
      %parallel_loop3A_214 = arith.constant 64 : index
      %parallel_loop3A_215 = tpu.vector_load %arg15[%parallel_loop3A_213, %parallel_loop3A_214] {strides = array<i32>} : memref<128x128xf32, #tpu.memory_space<vmem>>, vector<1x16xf32>,
      %parallel_loop3A_216 = vector.shape_cast %parallel_loop3A_215 : vector<1x16xf32> to vector<16xf32>
      %parallel_loop3A_217 = arith.subf %parallel_loop3A_212, %parallel_loop3A_216 : vector<16xf32>
      %parallel_loop3A_218 = arith.mulf %parallel_loop3A_217, %parallel_loop3A_217 : vector<16xf32>
      %parallel_loop3A_219 = arith.addf %parallel_loop3A_161, %parallel_loop3A_218 : vector<16xf32>
      %parallel_loop3A_220 = arith.index_cast %parallel_loop3A_156 : i32 to index
      %parallel_loop3A_221 = arith.constant 80 : index
      %parallel_loop3A_222 = tpu.vector_load %arg12[%parallel_loop3A_220, %parallel_loop3A_221] {strides = array<i32>} : memref<128x128xf32, #tpu.memory_space<vmem>>, vector<1x16xf32>,
      %parallel_loop3A_223 = vector.shape_cast %parallel_loop3A_222 : vector<1x16xf32> to vector<16xf32>
      %parallel_loop3A_224 = arith.index_cast %parallel_loop3A_156 : i32 to index
      %parallel_loop3A_225 = arith.constant 80 : index
      %parallel_loop3A_226 = tpu.vector_load %arg15[%parallel_loop3A_224, %parallel_loop3A_225] {strides = array<i32>} : memref<128x128xf32, #tpu.memory_space<vmem>>, vector<1x16xf32>,
      %parallel_loop3A_227 = vector.shape_cast %parallel_loop3A_226 : vector<1x16xf32> to vector<16xf32>
      %parallel_loop3A_228 = arith.subf %parallel_loop3A_223, %parallel_loop3A_227 : vector<16xf32>
      %parallel_loop3A_229 = arith.mulf %parallel_loop3A_228, %parallel_loop3A_228 : vector<16xf32>
      %parallel_loop3A_230 = arith.addf %parallel_loop3A_162, %parallel_loop3A_229 : vector<16xf32>
      %parallel_loop3A_231 = arith.index_cast %parallel_loop3A_156 : i32 to index
      %parallel_loop3A_232 = arith.constant 96 : index
      %parallel_loop3A_233 = tpu.vector_load %arg12[%parallel_loop3A_231, %parallel_loop3A_232] {strides = array<i32>} : memref<128x128xf32, #tpu.memory_space<vmem>>, vector<1x16xf32>,
      %parallel_loop3A_234 = vector.shape_cast %parallel_loop3A_233 : vector<1x16xf32> to vector<16xf32>
      %parallel_loop3A_235 = arith.index_cast %parallel_loop3A_156 : i32 to index
      %parallel_loop3A_236 = arith.constant 96 : index
      %parallel_loop3A_237 = tpu.vector_load %arg15[%parallel_loop3A_235, %parallel_loop3A_236] {strides = array<i32>} : memref<128x128xf32, #tpu.memory_space<vmem>>, vector<1x16xf32>,
      %parallel_loop3A_238 = vector.shape_cast %parallel_loop3A_237 : vector<1x16xf32> to vector<16xf32>
      %parallel_loop3A_239 = arith.subf %parallel_loop3A_234, %parallel_loop3A_238 : vector<16xf32>
      %parallel_loop3A_240 = arith.mulf %parallel_loop3A_239, %parallel_loop3A_239 : vector<16xf32>
      %parallel_loop3A_241 = arith.addf %parallel_loop3A_163, %parallel_loop3A_240 : vector<16xf32>
      %parallel_loop3A_242 = arith.index_cast %parallel_loop3A_156 : i32 to index
      %parallel_loop3A_243 = arith.constant 112 : index
      %parallel_loop3A_244 = tpu.vector_load %arg12[%parallel_loop3A_242, %parallel_loop3A_243] {strides = array<i32>} : memref<128x128xf32, #tpu.memory_space<vmem>>, vector<1x16xf32>,
      %parallel_loop3A_245 = vector.shape_cast %parallel_loop3A_244 : vector<1x16xf32> to vector<16xf32>
      %parallel_loop3A_246 = arith.index_cast %parallel_loop3A_156 : i32 to index
      %parallel_loop3A_247 = arith.constant 112 : index
      %parallel_loop3A_248 = tpu.vector_load %arg15[%parallel_loop3A_246, %parallel_loop3A_247] {strides = array<i32>} : memref<128x128xf32, #tpu.memory_space<vmem>>, vector<1x16xf32>,
      %parallel_loop3A_249 = vector.shape_cast %parallel_loop3A_248 : vector<1x16xf32> to vector<16xf32>
      %parallel_loop3A_250 = arith.subf %parallel_loop3A_245, %parallel_loop3A_249 : vector<16xf32>
      %parallel_loop3A_251 = arith.mulf %parallel_loop3A_250, %parallel_loop3A_250 : vector<16xf32>
      %parallel_loop3A_252 = arith.addf %parallel_loop3A_164, %parallel_loop3A_251 : vector<16xf32>
      scf.yield %parallel_loop3A_175, %parallel_loop3A_186, %parallel_loop3A_197, %parallel_loop3A_208, %parallel_loop3A_219, %parallel_loop3A_230, %parallel_loop3A_241, %parallel_loop3A_252 : vector<16xf32>, vector<16xf32>, vector<16xf32>, vector<16xf32>, vector<16xf32>, vector<16xf32>, vector<16xf32>, vector<16xf32>
    } {sc.loop_unroll_factor = 4 : i64, sc.parallel_access}
    %dma_wait3A_108 = arith.constant 0 : i32
    %dma_wait3A_109 = tpu.memref_slice %arg2[%add3A_19, %dma_wait3A_108] : memref<16384x128xf32, #tpu.memory_space<hbm>> -> memref<128x128xf32, #tpu.memory_space<hbm>>
    %dma_wait3A_110 = arith.constant 0 : i32
    %dma_wait3A_111 = tpu.memref_slice %arg2[%add3A_19, %dma_wait3A_110] : memref<16384x128xf32, #tpu.memory_space<hbm>> -> memref<128x128xf32, #tpu.memory_space<hbm>>
    tpu.wait_dma2 semaphore(%arg19 : memref<!tpu.dma_semaphore, #tpu.memory_space<semaphore_mem>>) src(%dma_wait3A_111 : memref<128x128xf32, #tpu.memory_space<hbm>>) dst(%arg13 : memref<128x128xf32, #tpu.memory_space<vmem>>)
    %dma_wait3A_112 = arith.constant 256 : i32
    %dma_wait3A_113 = tpu.memref_slice %arg6[%dma_wait3A_112] : memref<512xi32, #tpu.memory_space<vmem>> -> memref<128xi32, #tpu.memory_space<vmem>>
    %dma_wait3A_114 = arith.constant 0 : i32
    %dma_wait3A_115 = arith.constant 0 : i32
    %dma_wait3A_116 = tpu.memref_slice %arg8[%dma_wait3A_114, %dma_wait3A_115] : memref<1000x128xf32, #tpu.memory_space<vmem_shared>> -> memref<1000x128xf32, #tpu.memory_space<vmem_shared>>
    tpu.wait_indirect_dma semaphore(%arg22 : memref<!tpu.dma_semaphore, #tpu.memory_space<semaphore_mem>>) src(%dma_wait3A_116 : memref<1000x128xf32, #tpu.memory_space<vmem_shared>>) dst(%arg16 : memref<128x128xf32, #tpu.memory_space<vmem>>)
    %parallel_loop3A_117 = arith.constant 0 : i32
    %parallel_loop3A_118 = arith.constant 128 : i32
    %parallel_loop3A_119 = arith.constant 1 : i32
    %parallel_loop3A_120:8 = scf.for %parallel_loop3A_156 = %parallel_loop3A_117 to %parallel_loop3A_118 step %parallel_loop3A_119 iter_args(%parallel_loop3A_157 = %parallel_loop3A_107#0, %parallel_loop3A_158 = %parallel_loop3A_107#1, %parallel_loop3A_159 = %parallel_loop3A_107#2, %parallel_loop3A_160 = %parallel_loop3A_107#3, %parallel_loop3A_161 = %parallel_loop3A_107#4, %parallel_loop3A_162 = %parallel_loop3A_107#5, %parallel_loop3A_163 = %parallel_loop3A_107#6, %parallel_loop3A_164 = %parallel_loop3A_107#7) -> (vector<16xf32>, vector<16xf32>, vector<16xf32>, vector<16xf32>, vector<16xf32>, vector<16xf32>, vector<16xf32>, vector<16xf32>)  : i32 {
      %parallel_loop3A_165 = arith.index_cast %parallel_loop3A_156 : i32 to index
      %parallel_loop3A_166 = arith.constant 0 : index
      %parallel_loop3A_167 = tpu.vector_load %arg13[%parallel_loop3A_165, %parallel_loop3A_166] {strides = array<i32>} : memref<128x128xf32, #tpu.memory_space<vmem>>, vector<1x16xf32>,
      %parallel_loop3A_168 = vector.shape_cast %parallel_loop3A_167 : vector<1x16xf32> to vector<16xf32>
      %parallel_loop3A_169 = arith.index_cast %parallel_loop3A_156 : i32 to index
      %parallel_loop3A_170 = arith.constant 0 : index
      %parallel_loop3A_171 = tpu.vector_load %arg16[%parallel_loop3A_169, %parallel_loop3A_170] {strides = array<i32>} : memref<128x128xf32, #tpu.memory_space<vmem>>, vector<1x16xf32>,
      %parallel_loop3A_172 = vector.shape_cast %parallel_loop3A_171 : vector<1x16xf32> to vector<16xf32>
      %parallel_loop3A_173 = arith.subf %parallel_loop3A_168, %parallel_loop3A_172 : vector<16xf32>
      %parallel_loop3A_174 = arith.mulf %parallel_loop3A_173, %parallel_loop3A_173 : vector<16xf32>
      %parallel_loop3A_175 = arith.addf %parallel_loop3A_157, %parallel_loop3A_174 : vector<16xf32>
      %parallel_loop3A_176 = arith.index_cast %parallel_loop3A_156 : i32 to index
      %parallel_loop3A_177 = arith.constant 16 : index
      %parallel_loop3A_178 = tpu.vector_load %arg13[%parallel_loop3A_176, %parallel_loop3A_177] {strides = array<i32>} : memref<128x128xf32, #tpu.memory_space<vmem>>, vector<1x16xf32>,
      %parallel_loop3A_179 = vector.shape_cast %parallel_loop3A_178 : vector<1x16xf32> to vector<16xf32>
      %parallel_loop3A_180 = arith.index_cast %parallel_loop3A_156 : i32 to index
      %parallel_loop3A_181 = arith.constant 16 : index
      %parallel_loop3A_182 = tpu.vector_load %arg16[%parallel_loop3A_180, %parallel_loop3A_181] {strides = array<i32>} : memref<128x128xf32, #tpu.memory_space<vmem>>, vector<1x16xf32>,
      %parallel_loop3A_183 = vector.shape_cast %parallel_loop3A_182 : vector<1x16xf32> to vector<16xf32>
      %parallel_loop3A_184 = arith.subf %parallel_loop3A_179, %parallel_loop3A_183 : vector<16xf32>
      %parallel_loop3A_185 = arith.mulf %parallel_loop3A_184, %parallel_loop3A_184 : vector<16xf32>
      %parallel_loop3A_186 = arith.addf %parallel_loop3A_158, %parallel_loop3A_185 : vector<16xf32>
      %parallel_loop3A_187 = arith.index_cast %parallel_loop3A_156 : i32 to index
      %parallel_loop3A_188 = arith.constant 32 : index
      %parallel_loop3A_189 = tpu.vector_load %arg13[%parallel_loop3A_187, %parallel_loop3A_188] {strides = array<i32>} : memref<128x128xf32, #tpu.memory_space<vmem>>, vector<1x16xf32>,
      %parallel_loop3A_190 = vector.shape_cast %parallel_loop3A_189 : vector<1x16xf32> to vector<16xf32>
      %parallel_loop3A_191 = arith.index_cast %parallel_loop3A_156 : i32 to index
      %parallel_loop3A_192 = arith.constant 32 : index
      %parallel_loop3A_193 = tpu.vector_load %arg16[%parallel_loop3A_191, %parallel_loop3A_192] {strides = array<i32>} : memref<128x128xf32, #tpu.memory_space<vmem>>, vector<1x16xf32>,
      %parallel_loop3A_194 = vector.shape_cast %parallel_loop3A_193 : vector<1x16xf32> to vector<16xf32>
      %parallel_loop3A_195 = arith.subf %parallel_loop3A_190, %parallel_loop3A_194 : vector<16xf32>
      %parallel_loop3A_196 = arith.mulf %parallel_loop3A_195, %parallel_loop3A_195 : vector<16xf32>
      %parallel_loop3A_197 = arith.addf %parallel_loop3A_159, %parallel_loop3A_196 : vector<16xf32>
      %parallel_loop3A_198 = arith.index_cast %parallel_loop3A_156 : i32 to index
      %parallel_loop3A_199 = arith.constant 48 : index
      %parallel_loop3A_200 = tpu.vector_load %arg13[%parallel_loop3A_198, %parallel_loop3A_199] {strides = array<i32>} : memref<128x128xf32, #tpu.memory_space<vmem>>, vector<1x16xf32>,
      %parallel_loop3A_201 = vector.shape_cast %parallel_loop3A_200 : vector<1x16xf32> to vector<16xf32>
      %parallel_loop3A_202 = arith.index_cast %parallel_loop3A_156 : i32 to index
      %parallel_loop3A_203 = arith.constant 48 : index
      %parallel_loop3A_204 = tpu.vector_load %arg16[%parallel_loop3A_202, %parallel_loop3A_203] {strides = array<i32>} : memref<128x128xf32, #tpu.memory_space<vmem>>, vector<1x16xf32>,
      %parallel_loop3A_205 = vector.shape_cast %parallel_loop3A_204 : vector<1x16xf32> to vector<16xf32>
      %parallel_loop3A_206 = arith.subf %parallel_loop3A_201, %parallel_loop3A_205 : vector<16xf32>
      %parallel_loop3A_207 = arith.mulf %parallel_loop3A_206, %parallel_loop3A_206 : vector<16xf32>
      %parallel_loop3A_208 = arith.addf %parallel_loop3A_160, %parallel_loop3A_207 : vector<16xf32>
      %parallel_loop3A_209 = arith.index_cast %parallel_loop3A_156 : i32 to index
      %parallel_loop3A_210 = arith.constant 64 : index
      %parallel_loop3A_211 = tpu.vector_load %arg13[%parallel_loop3A_209, %parallel_loop3A_210] {strides = array<i32>} : memref<128x128xf32, #tpu.memory_space<vmem>>, vector<1x16xf32>,
      %parallel_loop3A_212 = vector.shape_cast %parallel_loop3A_211 : vector<1x16xf32> to vector<16xf32>
      %parallel_loop3A_213 = arith.index_cast %parallel_loop3A_156 : i32 to index
      %parallel_loop3A_214 = arith.constant 64 : index
      %parallel_loop3A_215 = tpu.vector_load %arg16[%parallel_loop3A_213, %parallel_loop3A_214] {strides = array<i32>} : memref<128x128xf32, #tpu.memory_space<vmem>>, vector<1x16xf32>,
      %parallel_loop3A_216 = vector.shape_cast %parallel_loop3A_215 : vector<1x16xf32> to vector<16xf32>
      %parallel_loop3A_217 = arith.subf %parallel_loop3A_212, %parallel_loop3A_216 : vector<16xf32>
      %parallel_loop3A_218 = arith.mulf %parallel_loop3A_217, %parallel_loop3A_217 : vector<16xf32>
      %parallel_loop3A_219 = arith.addf %parallel_loop3A_161, %parallel_loop3A_218 : vector<16xf32>
      %parallel_loop3A_220 = arith.index_cast %parallel_loop3A_156 : i32 to index
      %parallel_loop3A_221 = arith.constant 80 : index
      %parallel_loop3A_222 = tpu.vector_load %arg13[%parallel_loop3A_220, %parallel_loop3A_221] {strides = array<i32>} : memref<128x128xf32, #tpu.memory_space<vmem>>, vector<1x16xf32>,
      %parallel_loop3A_223 = vector.shape_cast %parallel_loop3A_222 : vector<1x16xf32> to vector<16xf32>
      %parallel_loop3A_224 = arith.index_cast %parallel_loop3A_156 : i32 to index
      %parallel_loop3A_225 = arith.constant 80 : index
      %parallel_loop3A_226 = tpu.vector_load %arg16[%parallel_loop3A_224, %parallel_loop3A_225] {strides = array<i32>} : memref<128x128xf32, #tpu.memory_space<vmem>>, vector<1x16xf32>,
      %parallel_loop3A_227 = vector.shape_cast %parallel_loop3A_226 : vector<1x16xf32> to vector<16xf32>
      %parallel_loop3A_228 = arith.subf %parallel_loop3A_223, %parallel_loop3A_227 : vector<16xf32>
      %parallel_loop3A_229 = arith.mulf %parallel_loop3A_228, %parallel_loop3A_228 : vector<16xf32>
      %parallel_loop3A_230 = arith.addf %parallel_loop3A_162, %parallel_loop3A_229 : vector<16xf32>
      %parallel_loop3A_231 = arith.index_cast %parallel_loop3A_156 : i32 to index
      %parallel_loop3A_232 = arith.constant 96 : index
      %parallel_loop3A_233 = tpu.vector_load %arg13[%parallel_loop3A_231, %parallel_loop3A_232] {strides = array<i32>} : memref<128x128xf32, #tpu.memory_space<vmem>>, vector<1x16xf32>,
      %parallel_loop3A_234 = vector.shape_cast %parallel_loop3A_233 : vector<1x16xf32> to vector<16xf32>
      %parallel_loop3A_235 = arith.index_cast %parallel_loop3A_156 : i32 to index
      %parallel_loop3A_236 = arith.constant 96 : index
      %parallel_loop3A_237 = tpu.vector_load %arg16[%parallel_loop3A_235, %parallel_loop3A_236] {strides = array<i32>} : memref<128x128xf32, #tpu.memory_space<vmem>>, vector<1x16xf32>,
      %parallel_loop3A_238 = vector.shape_cast %parallel_loop3A_237 : vector<1x16xf32> to vector<16xf32>
      %parallel_loop3A_239 = arith.subf %parallel_loop3A_234, %parallel_loop3A_238 : vector<16xf32>
      %parallel_loop3A_240 = arith.mulf %parallel_loop3A_239, %parallel_loop3A_239 : vector<16xf32>
      %parallel_loop3A_241 = arith.addf %parallel_loop3A_163, %parallel_loop3A_240 : vector<16xf32>
      %parallel_loop3A_242 = arith.index_cast %parallel_loop3A_156 : i32 to index
      %parallel_loop3A_243 = arith.constant 112 : index
      %parallel_loop3A_244 = tpu.vector_load %arg13[%parallel_loop3A_242, %parallel_loop3A_243] {strides = array<i32>} : memref<128x128xf32, #tpu.memory_space<vmem>>, vector<1x16xf32>,
      %parallel_loop3A_245 = vector.shape_cast %parallel_loop3A_244 : vector<1x16xf32> to vector<16xf32>
      %parallel_loop3A_246 = arith.index_cast %parallel_loop3A_156 : i32 to index
      %parallel_loop3A_247 = arith.constant 112 : index
      %parallel_loop3A_248 = tpu.vector_load %arg16[%parallel_loop3A_246, %parallel_loop3A_247] {strides = array<i32>} : memref<128x128xf32, #tpu.memory_space<vmem>>, vector<1x16xf32>,
      %parallel_loop3A_249 = vector.shape_cast %parallel_loop3A_248 : vector<1x16xf32> to vector<16xf32>
      %parallel_loop3A_250 = arith.subf %parallel_loop3A_245, %parallel_loop3A_249 : vector<16xf32>
      %parallel_loop3A_251 = arith.mulf %parallel_loop3A_250, %parallel_loop3A_250 : vector<16xf32>
      %parallel_loop3A_252 = arith.addf %parallel_loop3A_164, %parallel_loop3A_251 : vector<16xf32>
      scf.yield %parallel_loop3A_175, %parallel_loop3A_186, %parallel_loop3A_197, %parallel_loop3A_208, %parallel_loop3A_219, %parallel_loop3A_230, %parallel_loop3A_241, %parallel_loop3A_252 : vector<16xf32>, vector<16xf32>, vector<16xf32>, vector<16xf32>, vector<16xf32>, vector<16xf32>, vector<16xf32>, vector<16xf32>
    } {sc.loop_unroll_factor = 4 : i64, sc.parallel_access}
    %dma_wait3A_121 = arith.constant 0 : i32
    %dma_wait3A_122 = tpu.memref_slice %arg2[%add3A_85, %dma_wait3A_121] : memref<16384x128xf32, #tpu.memory_space<hbm>> -> memref<128x128xf32, #tpu.memory_space<hbm>>
    %dma_wait3A_123 = arith.constant 0 : i32
    %dma_wait3A_124 = tpu.memref_slice %arg2[%add3A_85, %dma_wait3A_123] : memref<16384x128xf32, #tpu.memory_space<hbm>> -> memref<128x128xf32, #tpu.memory_space<hbm>>
    tpu.wait_dma2 semaphore(%arg17 : memref<!tpu.dma_semaphore, #tpu.memory_space<semaphore_mem>>) src(%dma_wait3A_124 : memref<128x128xf32, #tpu.memory_space<hbm>>) dst(%arg11 : memref<128x128xf32, #tpu.memory_space<vmem>>)
    %dma_wait3A_125 = arith.constant 384 : i32
    %dma_wait3A_126 = tpu.memref_slice %arg6[%dma_wait3A_125] : memref<512xi32, #tpu.memory_space<vmem>> -> memref<128xi32, #tpu.memory_space<vmem>>
    %dma_wait3A_127 = arith.constant 0 : i32
    %dma_wait3A_128 = arith.constant 0 : i32
    %dma_wait3A_129 = tpu.memref_slice %arg8[%dma_wait3A_127, %dma_wait3A_128] : memref<1000x128xf32, #tpu.memory_space<vmem_shared>> -> memref<1000x128xf32, #tpu.memory_space<vmem_shared>>
    tpu.wait_indirect_dma semaphore(%arg20 : memref<!tpu.dma_semaphore, #tpu.memory_space<semaphore_mem>>) src(%dma_wait3A_129 : memref<1000x128xf32, #tpu.memory_space<vmem_shared>>) dst(%arg14 : memref<128x128xf32, #tpu.memory_space<vmem>>)
    %parallel_loop3A_130 = arith.constant 0 : i32
    %parallel_loop3A_131 = arith.constant 128 : i32
    %parallel_loop3A_132 = arith.constant 1 : i32
    %parallel_loop3A_133:8 = scf.for %parallel_loop3A_156 = %parallel_loop3A_130 to %parallel_loop3A_131 step %parallel_loop3A_132 iter_args(%parallel_loop3A_157 = %parallel_loop3A_120#0, %parallel_loop3A_158 = %parallel_loop3A_120#1, %parallel_loop3A_159 = %parallel_loop3A_120#2, %parallel_loop3A_160 = %parallel_loop3A_120#3, %parallel_loop3A_161 = %parallel_loop3A_120#4, %parallel_loop3A_162 = %parallel_loop3A_120#5, %parallel_loop3A_163 = %parallel_loop3A_120#6, %parallel_loop3A_164 = %parallel_loop3A_120#7) -> (vector<16xf32>, vector<16xf32>, vector<16xf32>, vector<16xf32>, vector<16xf32>, vector<16xf32>, vector<16xf32>, vector<16xf32>)  : i32 {
      %parallel_loop3A_165 = arith.index_cast %parallel_loop3A_156 : i32 to index
      %parallel_loop3A_166 = arith.constant 0 : index
      %parallel_loop3A_167 = tpu.vector_load %arg11[%parallel_loop3A_165, %parallel_loop3A_166] {strides = array<i32>} : memref<128x128xf32, #tpu.memory_space<vmem>>, vector<1x16xf32>,
      %parallel_loop3A_168 = vector.shape_cast %parallel_loop3A_167 : vector<1x16xf32> to vector<16xf32>
      %parallel_loop3A_169 = arith.index_cast %parallel_loop3A_156 : i32 to index
      %parallel_loop3A_170 = arith.constant 0 : index
      %parallel_loop3A_171 = tpu.vector_load %arg14[%parallel_loop3A_169, %parallel_loop3A_170] {strides = array<i32>} : memref<128x128xf32, #tpu.memory_space<vmem>>, vector<1x16xf32>,
      %parallel_loop3A_172 = vector.shape_cast %parallel_loop3A_171 : vector<1x16xf32> to vector<16xf32>
      %parallel_loop3A_173 = arith.subf %parallel_loop3A_168, %parallel_loop3A_172 : vector<16xf32>
      %parallel_loop3A_174 = arith.mulf %parallel_loop3A_173, %parallel_loop3A_173 : vector<16xf32>
      %parallel_loop3A_175 = arith.addf %parallel_loop3A_157, %parallel_loop3A_174 : vector<16xf32>
      %parallel_loop3A_176 = arith.index_cast %parallel_loop3A_156 : i32 to index
      %parallel_loop3A_177 = arith.constant 16 : index
      %parallel_loop3A_178 = tpu.vector_load %arg11[%parallel_loop3A_176, %parallel_loop3A_177] {strides = array<i32>} : memref<128x128xf32, #tpu.memory_space<vmem>>, vector<1x16xf32>,
      %parallel_loop3A_179 = vector.shape_cast %parallel_loop3A_178 : vector<1x16xf32> to vector<16xf32>
      %parallel_loop3A_180 = arith.index_cast %parallel_loop3A_156 : i32 to index
      %parallel_loop3A_181 = arith.constant 16 : index
      %parallel_loop3A_182 = tpu.vector_load %arg14[%parallel_loop3A_180, %parallel_loop3A_181] {strides = array<i32>} : memref<128x128xf32, #tpu.memory_space<vmem>>, vector<1x16xf32>,
      %parallel_loop3A_183 = vector.shape_cast %parallel_loop3A_182 : vector<1x16xf32> to vector<16xf32>
      %parallel_loop3A_184 = arith.subf %parallel_loop3A_179, %parallel_loop3A_183 : vector<16xf32>
      %parallel_loop3A_185 = arith.mulf %parallel_loop3A_184, %parallel_loop3A_184 : vector<16xf32>
      %parallel_loop3A_186 = arith.addf %parallel_loop3A_158, %parallel_loop3A_185 : vector<16xf32>
      %parallel_loop3A_187 = arith.index_cast %parallel_loop3A_156 : i32 to index
      %parallel_loop3A_188 = arith.constant 32 : index
      %parallel_loop3A_189 = tpu.vector_load %arg11[%parallel_loop3A_187, %parallel_loop3A_188] {strides = array<i32>} : memref<128x128xf32, #tpu.memory_space<vmem>>, vector<1x16xf32>,
      %parallel_loop3A_190 = vector.shape_cast %parallel_loop3A_189 : vector<1x16xf32> to vector<16xf32>
      %parallel_loop3A_191 = arith.index_cast %parallel_loop3A_156 : i32 to index
      %parallel_loop3A_192 = arith.constant 32 : index
      %parallel_loop3A_193 = tpu.vector_load %arg14[%parallel_loop3A_191, %parallel_loop3A_192] {strides = array<i32>} : memref<128x128xf32, #tpu.memory_space<vmem>>, vector<1x16xf32>,
      %parallel_loop3A_194 = vector.shape_cast %parallel_loop3A_193 : vector<1x16xf32> to vector<16xf32>
      %parallel_loop3A_195 = arith.subf %parallel_loop3A_190, %parallel_loop3A_194 : vector<16xf32>
      %parallel_loop3A_196 = arith.mulf %parallel_loop3A_195, %parallel_loop3A_195 : vector<16xf32>
      %parallel_loop3A_197 = arith.addf %parallel_loop3A_159, %parallel_loop3A_196 : vector<16xf32>
      %parallel_loop3A_198 = arith.index_cast %parallel_loop3A_156 : i32 to index
      %parallel_loop3A_199 = arith.constant 48 : index
      %parallel_loop3A_200 = tpu.vector_load %arg11[%parallel_loop3A_198, %parallel_loop3A_199] {strides = array<i32>} : memref<128x128xf32, #tpu.memory_space<vmem>>, vector<1x16xf32>,
      %parallel_loop3A_201 = vector.shape_cast %parallel_loop3A_200 : vector<1x16xf32> to vector<16xf32>
      %parallel_loop3A_202 = arith.index_cast %parallel_loop3A_156 : i32 to index
      %parallel_loop3A_203 = arith.constant 48 : index
      %parallel_loop3A_204 = tpu.vector_load %arg14[%parallel_loop3A_202, %parallel_loop3A_203] {strides = array<i32>} : memref<128x128xf32, #tpu.memory_space<vmem>>, vector<1x16xf32>,
      %parallel_loop3A_205 = vector.shape_cast %parallel_loop3A_204 : vector<1x16xf32> to vector<16xf32>
      %parallel_loop3A_206 = arith.subf %parallel_loop3A_201, %parallel_loop3A_205 : vector<16xf32>
      %parallel_loop3A_207 = arith.mulf %parallel_loop3A_206, %parallel_loop3A_206 : vector<16xf32>
      %parallel_loop3A_208 = arith.addf %parallel_loop3A_160, %parallel_loop3A_207 : vector<16xf32>
      %parallel_loop3A_209 = arith.index_cast %parallel_loop3A_156 : i32 to index
      %parallel_loop3A_210 = arith.constant 64 : index
      %parallel_loop3A_211 = tpu.vector_load %arg11[%parallel_loop3A_209, %parallel_loop3A_210] {strides = array<i32>} : memref<128x128xf32, #tpu.memory_space<vmem>>, vector<1x16xf32>,
      %parallel_loop3A_212 = vector.shape_cast %parallel_loop3A_211 : vector<1x16xf32> to vector<16xf32>
      %parallel_loop3A_213 = arith.index_cast %parallel_loop3A_156 : i32 to index
      %parallel_loop3A_214 = arith.constant 64 : index
      %parallel_loop3A_215 = tpu.vector_load %arg14[%parallel_loop3A_213, %parallel_loop3A_214] {strides = array<i32>} : memref<128x128xf32, #tpu.memory_space<vmem>>, vector<1x16xf32>,
      %parallel_loop3A_216 = vector.shape_cast %parallel_loop3A_215 : vector<1x16xf32> to vector<16xf32>
      %parallel_loop3A_217 = arith.subf %parallel_loop3A_212, %parallel_loop3A_216 : vector<16xf32>
      %parallel_loop3A_218 = arith.mulf %parallel_loop3A_217, %parallel_loop3A_217 : vector<16xf32>
      %parallel_loop3A_219 = arith.addf %parallel_loop3A_161, %parallel_loop3A_218 : vector<16xf32>
      %parallel_loop3A_220 = arith.index_cast %parallel_loop3A_156 : i32 to index
      %parallel_loop3A_221 = arith.constant 80 : index
      %parallel_loop3A_222 = tpu.vector_load %arg11[%parallel_loop3A_220, %parallel_loop3A_221] {strides = array<i32>} : memref<128x128xf32, #tpu.memory_space<vmem>>, vector<1x16xf32>,
      %parallel_loop3A_223 = vector.shape_cast %parallel_loop3A_222 : vector<1x16xf32> to vector<16xf32>
      %parallel_loop3A_224 = arith.index_cast %parallel_loop3A_156 : i32 to index
      %parallel_loop3A_225 = arith.constant 80 : index
      %parallel_loop3A_226 = tpu.vector_load %arg14[%parallel_loop3A_224, %parallel_loop3A_225] {strides = array<i32>} : memref<128x128xf32, #tpu.memory_space<vmem>>, vector<1x16xf32>,
      %parallel_loop3A_227 = vector.shape_cast %parallel_loop3A_226 : vector<1x16xf32> to vector<16xf32>
      %parallel_loop3A_228 = arith.subf %parallel_loop3A_223, %parallel_loop3A_227 : vector<16xf32>
      %parallel_loop3A_229 = arith.mulf %parallel_loop3A_228, %parallel_loop3A_228 : vector<16xf32>
      %parallel_loop3A_230 = arith.addf %parallel_loop3A_162, %parallel_loop3A_229 : vector<16xf32>
      %parallel_loop3A_231 = arith.index_cast %parallel_loop3A_156 : i32 to index
      %parallel_loop3A_232 = arith.constant 96 : index
      %parallel_loop3A_233 = tpu.vector_load %arg11[%parallel_loop3A_231, %parallel_loop3A_232] {strides = array<i32>} : memref<128x128xf32, #tpu.memory_space<vmem>>, vector<1x16xf32>,
      %parallel_loop3A_234 = vector.shape_cast %parallel_loop3A_233 : vector<1x16xf32> to vector<16xf32>
      %parallel_loop3A_235 = arith.index_cast %parallel_loop3A_156 : i32 to index
      %parallel_loop3A_236 = arith.constant 96 : index
      %parallel_loop3A_237 = tpu.vector_load %arg14[%parallel_loop3A_235, %parallel_loop3A_236] {strides = array<i32>} : memref<128x128xf32, #tpu.memory_space<vmem>>, vector<1x16xf32>,
      %parallel_loop3A_238 = vector.shape_cast %parallel_loop3A_237 : vector<1x16xf32> to vector<16xf32>
      %parallel_loop3A_239 = arith.subf %parallel_loop3A_234, %parallel_loop3A_238 : vector<16xf32>
      %parallel_loop3A_240 = arith.mulf %parallel_loop3A_239, %parallel_loop3A_239 : vector<16xf32>
      %parallel_loop3A_241 = arith.addf %parallel_loop3A_163, %parallel_loop3A_240 : vector<16xf32>
      %parallel_loop3A_242 = arith.index_cast %parallel_loop3A_156 : i32 to index
      %parallel_loop3A_243 = arith.constant 112 : index
      %parallel_loop3A_244 = tpu.vector_load %arg11[%parallel_loop3A_242, %parallel_loop3A_243] {strides = array<i32>} : memref<128x128xf32, #tpu.memory_space<vmem>>, vector<1x16xf32>,
      %parallel_loop3A_245 = vector.shape_cast %parallel_loop3A_244 : vector<1x16xf32> to vector<16xf32>
      %parallel_loop3A_246 = arith.index_cast %parallel_loop3A_156 : i32 to index
      %parallel_loop3A_247 = arith.constant 112 : index
      %parallel_loop3A_248 = tpu.vector_load %arg14[%parallel_loop3A_246, %parallel_loop3A_247] {strides = array<i32>} : memref<128x128xf32, #tpu.memory_space<vmem>>, vector<1x16xf32>,
      %parallel_loop3A_249 = vector.shape_cast %parallel_loop3A_248 : vector<1x16xf32> to vector<16xf32>
      %parallel_loop3A_250 = arith.subf %parallel_loop3A_245, %parallel_loop3A_249 : vector<16xf32>
      %parallel_loop3A_251 = arith.mulf %parallel_loop3A_250, %parallel_loop3A_250 : vector<16xf32>
      %parallel_loop3A_252 = arith.addf %parallel_loop3A_164, %parallel_loop3A_251 : vector<16xf32>
      scf.yield %parallel_loop3A_175, %parallel_loop3A_186, %parallel_loop3A_197, %parallel_loop3A_208, %parallel_loop3A_219, %parallel_loop3A_230, %parallel_loop3A_241, %parallel_loop3A_252 : vector<16xf32>, vector<16xf32>, vector<16xf32>, vector<16xf32>, vector<16xf32>, vector<16xf32>, vector<16xf32>, vector<16xf32>
    } {sc.loop_unroll_factor = 4 : i64, sc.parallel_access}
    %add3A_134 = arith.addf %parallel_loop3A_133#0, %parallel_loop3A_133#1 : vector<16xf32>
    %add3A_135 = arith.addf %add3A_134, %parallel_loop3A_133#2 : vector<16xf32>
    %add3A_136 = arith.addf %add3A_135, %parallel_loop3A_133#3 : vector<16xf32>
    %add3A_137 = arith.addf %add3A_136, %parallel_loop3A_133#4 : vector<16xf32>
    %add3A_138 = arith.addf %add3A_137, %parallel_loop3A_133#5 : vector<16xf32>
    %add3A_139 = arith.addf %add3A_138, %parallel_loop3A_133#6 : vector<16xf32>
    %add3A_140 = arith.addf %add3A_139, %parallel_loop3A_133#7 : vector<16xf32>
    %swap3A = arith.constant 0 : index
    %swap3A_141 = tpu.vector_load %arg7[%swap3A] {strides = array<i32>} : memref<16xf32, #tpu.memory_space<vmem>>, vector<16xf32>,
    %swap3A_142 = vector.shape_cast %swap3A_141 : vector<16xf32> to vector<16xf32>
    %swap3A_143 = vector.shape_cast %add3A_140 : vector<16xf32> to vector<16xf32>
    tpu.vector_store %arg7[%swap3A], %swap3A_143 {strides = array<i32>} : memref<16xf32, #tpu.memory_space<vmem>>, vector<16xf32>,
    %dma_start3A_144 = arith.constant 0 : i32
    %dma_start3A_145 = tpu.memref_slice %arg5[%add3A, %dma_start3A_144] : memref<32x16xf32, #tpu.memory_space<hbm>> -> memref<1x16xf32, #tpu.memory_space<hbm>>
    %dma_start3A_146 = tpu.memref_squeeze %dma_start3A_145 : memref<1x16xf32, #tpu.memory_space<hbm>> -> memref<16xf32, #tpu.memory_space<hbm>>
    %dma_start3A_147 = arith.constant 0 : i32
    %dma_start3A_148 = tpu.memref_slice %arg5[%add3A, %dma_start3A_147] : memref<32x16xf32, #tpu.memory_space<hbm>> -> memref<1x16xf32, #tpu.memory_space<hbm>>
    %dma_start3A_149 = tpu.memref_squeeze %dma_start3A_148 : memref<1x16xf32, #tpu.memory_space<hbm>> -> memref<16xf32, #tpu.memory_space<hbm>>
    tpu.enqueue_dma source(%arg7 : memref<16xf32, #tpu.memory_space<vmem>>) target(%dma_start3A_149 : memref<16xf32, #tpu.memory_space<hbm>>) target_semaphore(%arg9 : memref<!tpu.dma_semaphore, #tpu.memory_space<semaphore_mem>>)
    %dma_wait3A_150 = arith.constant 0 : i32
    %dma_wait3A_151 = tpu.memref_slice %arg5[%add3A, %dma_wait3A_150] : memref<32x16xf32, #tpu.memory_space<hbm>> -> memref<1x16xf32, #tpu.memory_space<hbm>>
    %dma_wait3A_152 = tpu.memref_squeeze %dma_wait3A_151 : memref<1x16xf32, #tpu.memory_space<hbm>> -> memref<16xf32, #tpu.memory_space<hbm>>
    %dma_wait3A_153 = arith.constant 0 : i32
    %dma_wait3A_154 = tpu.memref_slice %arg5[%add3A, %dma_wait3A_153] : memref<32x16xf32, #tpu.memory_space<hbm>> -> memref<1x16xf32, #tpu.memory_space<hbm>>
    %dma_wait3A_155 = tpu.memref_squeeze %dma_wait3A_154 : memref<1x16xf32, #tpu.memory_space<hbm>> -> memref<16xf32, #tpu.memory_space<hbm>>
    tpu.wait_dma2 semaphore(%arg9 : memref<!tpu.dma_semaphore, #tpu.memory_space<semaphore_mem>>) src(%arg7 : memref<16xf32, #tpu.memory_space<vmem>>) dst(%dma_wait3A_155 : memref<16xf32, #tpu.memory_space<hbm>>)
    return
  }
}

</mosaic_0001>

<sc_bundles>
// kernel: _center_loss_partials.3.cloned.1.call-start
scs
__scs_entry_jumppad:
0x0: {  	(pc) =	sbr.rel $0x88, $3  }
0x1: {  	(tag) =	ssettag $0x0;
	lr =	simm.s32 $0x1  }
0x2: {  	[smem:$0x3F9E] =	sst lr;
	_ =	strace $0xD0000000  }
0x3: {  	_ = 	snop  }
0x4: {  	_ = 	snop  }
0x5: {  	_ = 	snop  }
0x6: {  	_ = 	snop  }
0x7: {  	_ = 	snop  }
__scs_overlays_trampoline_lowered:
0x8: {  	[smem:$0x3FAD] =	sst s0  }
0x9: {  	[smem:$0x3FAE] =	sst s1  }
0xa: {  	[smem:$0x3FAF] =	sst s2  }
0xb: {  	[smem:$0x3FB0] =	sst s3  }
0xc: {  	[smem:$0x3FB1] =	sst s4  }
0xd: {  	[smem:$0x3FB2] =	sst s5  }
0xe: {  	[smem:$0x3FB3] =	sst s6  }
0xf: {  	[smem:$0x3FB4] =	sst s7  }
0x10: {  	[smem:$0x3FB5] =	sst s8  }
0x11: {  	[smem:$0x3FB6] =	sst s9;
	s0 =	simm.s32 @!p0 $0x0  }
0x12: {  	s1 =	sld [smem:$0x3F9C];
	s0 =	simm.s32 @p0 $0x1  }
0x13: {  	[smem:$0x3FB7] =	sst s0;
	s0 =	simm.s32 @!p1 $0x0  }
0x14: {  	s2 =	sld [smem:$0x3F9B];
	s0 =	simm.s32 @p1 $0x1  }
0x15: {  	[smem:$0x3FB8] =	sst s0;
	s0 =	simm.s32 @!p2 $0x0  }
0x16: {  	s3 =	sld [smem:$0x3FDB];
	s0 =	simm.s32 @p2 $0x1  }
0x17: {  	s4 =	simm.s32 $0x1BF5;
	[smem:$0x3FBA] =	sst s0  }
0x18: {  	s0 =	sld [smem:$0x3F9D];
	_ =	swait.ge [sflag:s4], $0x0  }
0x19: {  	s7 =	sld [smem:$0x3F9E]  }
0x1a: {  	s8 =	sadd.s32 $0xFFFFE003, lr  }
0x1b: {  	s9 =	sadd.s32 $0xFFFFFEF7, lr;
	s5 =	simm.s32 $0xFFFFFFFF;
	p2 =	slt.u32 s8, $0xFFFFF086  }
0x1c: {  	p1 =	slt.u32 s9, $0xF7A;
	s5 =	simm.s32 @!p2 $0x0  }
0x1d: {  	s5 =	simm.s32 @p1 $0x1;
	p0 =	seq.s32 s7, s2  }
0x1e: {  	s7 =	smul.u32 @!p0 $0xF7A, s2;
	p2 =	seq.s32 @!p0 s5, $0x0  }
0x1f: {  	s9 =	smul.u32 $0xF7A, s1;
	s8 =	simm.s32 @!p0 $0x1BF5;
	p2 =	por !p2, p0  }
0x20: {  	[sflag:s8] =	ssyncset.s32 @!p0 $0xFFFFF086;
	s6 =	sadd.s32 @!p0 s3, s7;
	s7 =	simm.s32 @!p0 $0x108  }
0x21: {  	s3 =	sadd.s32 s3, s9;
	s6 =	sadd.s32 @!p0 $0x88, s6;
	s7 =	simm.s32 @p2 $0x1082  }
0x22: {  	[simem:s7], [sflag:s8] =	dma.local @!p0 [hbm:s6], $0xF7A  }
0x23: {  	s9 =	sor.u32 $0xD0000000, s2;
	s6 =	simm.s32 $0x108;
	_ =	swait.ge @!p0 [sflag:s8], $0x0  }
0x24: {  	s3 =	sadd.s32 $0x88, s3;
	s6 =	simm.s32 @!p1 $0x1082;
	[sflag:s4] =	ssyncset.s32 $0xFFFFF086  }
0x25: {  	[simem:s6], [sflag:s4] =	dma.local [hbm:s3], $0xF7A  }
0x26: {  	[smem:$0x3F9E] =	sst s1;
	(tag) =	ssettag s2;
	_ =	strace s9  }
0x27: {  	s1 =	sld [smem:$0x3FAE]  }
0x28: {  	s2 =	sld [smem:$0x3FAF]  }
0x29: {  	s4 =	sld [smem:$0x3FB1]  }
0x2a: {  	p0 =	seq.s32 s5, $0x0;
	s5 =	sld [smem:$0x3FB2]  }
0x2b: {  	s6 =	sld [smem:$0x3FB3]  }
0x2c: {  	s7 =	sld [smem:$0x3FB4]  }
0x2d: {  	s3 =	simm.s32 $0x108;
	s8 =	sld [smem:$0x3FB5]  }
0x2e: {  	s3 =	simm.s32 @!p0 $0x1082;
	s9 =	sld [smem:$0x3FB6]  }
0x2f: {  	lr =	sadd.s32 s0, s3;
	s0 =	sld [smem:$0x3FAD]  }
0x30: {  	s3 =	sld [smem:$0x3FB0]  }
0x31: {  	[smem:$0x3FB9] =	sst s10  }
0x32: {  	s10 =	sld [smem:$0x3FB7];
	_ =	sdelay $0x3  }
0x33: {  	p0 =	seq.s32 s10, $0x1;
	s10 =	sld [smem:$0x3FB9];
	_ =	sdelay $0x3  }
0x34: {  	[smem:$0x3FB9] =	sst s10  }
0x35: {  	s10 =	sld [smem:$0x3FB8];
	_ =	sdelay $0x3  }
0x36: {  	p1 =	seq.s32 s10, $0x1;
	s10 =	sld [smem:$0x3FB9];
	_ =	sdelay $0x3  }
0x37: {  	[smem:$0x3FB9] =	sst s10  }
0x38: {  	s10 =	sld [smem:$0x3FBA]  }
0x39: {  	_ = 	snop;
	(pc) =	sbr.ind lr, $3  }
0x3a: {  	_ = 	snop  }
0x3b: {  	_ = 	snop  }
0x3c: {  	p2 =	seq.s32 s10, $0x1;
	s10 =	sld [smem:$0x3FB9]  }
0x3d: {  	_ =	shalt  }
0x3e: {  	_ =	shalt  }
0x3f: {  	_ =	shalt  }
0x40: {  	_ =	shalt  }
0x41: {  	_ =	shalt  }
0x42: {  	_ =	shalt  }
0x43: {  	_ =	shalt  }
0x44: {  	_ =	shalt  }
0x45: {  	_ =	shalt  }
0x46: {  	_ =	shalt  }
0x47: {  	_ =	shalt  }
0x48: {  	_ =	shalt  }
0x49: {  	_ =	shalt  }
0x4a: {  	_ =	shalt  }
0x4b: {  	_ =	shalt  }
0x4c: {  	_ =	shalt  }
0x4d: {  	_ =	shalt  }
0x4e: {  	_ =	shalt  }
0x4f: {  	_ =	shalt  }
0x50: {  	_ =	shalt  }
0x51: {  	_ =	shalt  }
0x52: {  	_ =	shalt  }
0x53: {  	_ =	shalt  }
0x54: {  	_ =	shalt  }
0x55: {  	_ =	shalt  }
0x56: {  	_ =	shalt  }
0x57: {  	_ =	shalt  }
0x58: {  	_ =	shalt  }
0x59: {  	_ =	shalt  }
0x5a: {  	_ =	shalt  }
0x5b: {  	_ =	shalt  }
0x5c: {  	_ =	shalt  }
0x5d: {  	_ =	shalt  }
0x5e: {  	_ =	shalt  }
0x5f: {  	_ =	shalt  }
0x60: {  	_ =	shalt  }
0x61: {  	_ =	shalt  }
0x62: {  	_ =	shalt  }
0x63: {  	_ =	shalt  }
0x64: {  	_ =	shalt  }
0x65: {  	_ =	shalt  }
0x66: {  	_ =	shalt  }
0x67: {  	_ =	shalt  }
0x68: {  	_ =	shalt  }
0x69: {  	_ =	shalt  }
0x6a: {  	_ =	shalt  }
0x6b: {  	_ =	shalt  }
0x6c: {  	_ =	shalt  }
0x6d: {  	_ =	shalt  }
0x6e: {  	_ =	shalt  }
0x6f: {  	_ =	shalt  }
0x70: {  	_ =	shalt  }
0x71: {  	_ =	shalt  }
0x72: {  	_ =	shalt  }
0x73: {  	_ =	shalt  }
0x74: {  	_ =	shalt  }
0x75: {  	_ =	shalt  }
0x76: {  	_ =	shalt  }
0x77: {  	_ =	shalt  }
0x78: {  	_ =	shalt  }
0x79: {  	_ =	shalt  }
0x7a: {  	_ =	shalt  }
0x7b: {  	_ =	shalt  }
0x7c: {  	_ =	shalt  }
0x7d: {  	_ =	shalt  }
0x7e: {  	_ =	shalt  }
0x7f: {  	_ =	shalt  }
0x80: {  	_ =	shalt  }
0x81: {  	_ =	shalt  }
0x82: {  	_ =	shalt  }
0x83: {  	_ =	shalt  }
0x84: {  	_ =	shalt  }
0x85: {  	_ =	shalt  }
0x86: {  	_ =	shalt  }
0x87: {  	_ =	shalt  }
.Lfunc_end0:
.L_simem_size_0:
called_computation_lowered:
.L_overlay_start_0:
0x88: {  	s2 =	sld [smem:$0x3FD9]  }
0x89: {  	s3 =	sld [smem:$0x3FFE];
	_ =	sdelay $0x1  }
0x8a: {  	s1 =	srdreg.scid  }
0x8b: {  	s0 =	sand.u32 $0x1, s1  }
0x8c: {  	s17 =	sshll.u32 s0, $0xA;
	s2 =	sadd.s32 s3, s2  }
0x8d: {  	s2 =	sadd.s32 s2, s17  }
0x8e: {  	[smem:$0x3FC5] =	sst s2  }
0x8f: {  	_ = 	snop  }
0x90: {  	s2 =	sld [smem:$0x3FC9]  }
0x91: {  	s18 =	sld [smem:$0x3FC8]  }
0x92: {  	s4 =	sld [smem:$0x3FC7];
	(tm) =	ssettm $0x1  }
0x93: {  	s5 =	sld [smem:$0x3FFB];
	_ =	sdelay $0x3  }
0x94: {  	_ =	strace s5  }
0x95: {  	s5 =	sld [smem:$0x3FFC];
	_ =	sdelay $0x3  }
0x96: {  	_ =	strace s5  }
0x97: {  	s5 =	sld [smem:$0x3FFD];
	_ =	sdelay $0x3  }
0x98: {  	_ =	strace s5  }
0x99: {  	_ =	strace $0x8FFFFFFF  }
0x9a: {  	s19 =	sld [smem:$0x3FDB];
	_ =	sdelay $0x1  }
0x9b: {  	s6 =	simm.s32 $_scs_section_size  }
0x9c: {  	s7 =	simm.s32 $_size__tile_overlayer_lowered;
	s8 =	simm.s32 $_tile_overlayer_lowered  }
0x9d: {  	s22 =	simm.s32 $0x1BFF;
	s21 =	sshll.u32 s8, $0x1;
	s5 =	sadd.s32 s6, s19  }
0x9e: {  	s9 =	simm.s32 $0x0;
	s20 =	sshll.u32 s7, $0x1;
	s7 =	sadd.s32 s21, s5  }
0x9f: {  	[timem:s9], [sflag:s22] =	dma.local [hbm:s7], s20  }
0xa0: {  	_ =	swait.ge [sflag:s22], s20  }
0xa1: {  	s6 =	ssub.s32 $0x0, s20;
	[sflag:s22] =	ssyncset.done $0x0  }
0xa2: {  	[sflag:s22] =	ssyncadd.s32 s6;
	_ =	sdelay $0x1  }
0xa3: {  	s23 =	simm.s32 $0x1B8B  }
0xa4: {  	_ =	swait.ge [sflag:s23], $0x1  }
0xa5: {  	[sflag:s23] =	ssyncset.done $0x0  }
0xa6: {  	s25 =	simm.s32 $0x1B8E;
	s24 =	sld [smem:$0x3FFE];
	[sflag:s23] =	ssyncadd.s32 $0xFFFFFFFF  }
0xa7: {  	s26 =	simm.s32 $execute0_lowered;
	[smem:$0x3FD2] =	sst s25  }
0xa8: {  	s7 =	sshll.u32 s26, $0x1;
	_ =	strace $0x80000046;
	[dreg:$0x1] =	wrdreg $0xFFFFFFFF  }
0xa9: {  	s28 =	simm.s32 $_size_execute0_lowered;
	s5 =	sadd.s32 s5, s7;
	[dreg:$0x0] =	wrdreg $0x0  }
0xaa: {  	s7 =	sshll.u32 s28, $0x1;
	[dreg:$0x2] =	wrdreg s5  }
0xab: {  	[dreg:$0x3] =	wrdreg s7  }
0xac: {  	[dreg:$0x4] =	wrdreg $0xC0  }
0xad: {  	_ =	task [dreg:s9], $0x5FFFF  }
0xae: {  	[dreg:$0x1] =	wrdreg $0xFFFFFFFF  }
0xaf: {  	[dreg:$0x0] =	wrdreg $0x60  }
0xb0: {  	[dreg:$0x2] =	wrdreg s2  }
0xb1: {  	[dreg:$0x3] =	wrdreg s18  }
0xb2: {  	[dreg:$0x4] =	wrdreg s4  }
0xb3: {  	[dreg:$0x5] =	wrdreg s24  }
0xb4: {  	[dreg:$0x6] =	wrdreg $0x2800  }
0xb5: {  	[dreg:$0x7] =	wrdreg $0x9  }
0xb6: {  	_ =	task.clear_ibuf [dreg:s9], $0x8FFFF;
	_ =	strace $0x90000046  }
0xb7: {  	s29 =	simm.s32 $0x9;
	_ =	strace $0x80000048  }
0xb8: {  	_ =	swait.ge [sflag:s29], $0x1  }
0xb9: {  	[sflag:s29] =	ssyncadd.s32 $0xFFFFFFFF  }
0xba: {  	_ =	strace $0x90000048  }
0xbb: {  	_ =	sfence  }
0xbc: {  	s30 =	sld [smem:$0x0];
	_ =	sdelay $0x2  }
0xbd: {  	s31 =	sshll.u32 s1, $0xD;
	s1 =	sshrl.u32 s1, $0x2  }
0xbe: {  	s3 =	sand.u32 $0x4000, s31;
	s1 =	sadd.s32 s1, s30  }
0xbf: {  	s0 =	sor.u32 s3, s0;
	s1 =	sshll.u32 s1, $0x11  }
0xc0: {  	s0 =	sor.u32 s1, s0  }
0xc1: {  	s0 =	sadd.s32 $0x8F2B, s0  }
0xc2: {  	[sflag:s0] =	ssyncadd.remote.s32 $0x1  }
0xc3: {  	_ =	sfence.sel $0xFFFF  }
0xc4: {  	[dreg:$0x0] =	wrdreg $0xFFFFFFFF;
	(pc) =	sbr.abs _section_cstart, $3  }
0xc5: {  	[dreg:$0x1] =	wrdreg $0xFFFFFFFF  }
0xc6: {  	_ =	task.clear_ibuf [dreg:s9], $0x2FFFF;
	_ =	strace $0x9FFFFFFF  }
0xc7: {  	(tm) =	ssettm $0x7FFFFFFF  }
tec
execute0_lowered:
.L_overlay_start_1:
0x0: {  	(tag) =	ssettag $0x1  }
0x1: {  	s0 =	rddreg [dreg:$0x0]  }
0x2: {  	s1 =	rddreg [dreg:$0x1]  }
0x3: {  	s8 =	rddreg [dreg:$0x2]  }
0x4: {  	s4 =	rddreg [dreg:$0x3]  }
0x5: {  	s2 =	rddreg [dreg:$0x4]  }
0x6: {  	s5 =	srdreg.scid;
	s9 =	stileid.u32  }
0x7: {  	s3 =	simm.s32 $0x0;
	s13 =	simm.s32 $0x21C0;
	s17 =	simm.s32 $0x2  }
0x8: {  	s18 =	simm.s32 $0x80;
	s19 =	simm.s32 $0xE1C0;
	s20 =	simm.s32 $0x121C0  }
0x9: {  	s21 =	simm.s32 $0x100;
	s22 =	simm.s32 $0x161C0;
	s28 =	simm.s32 $0x7  }
0xa: {  	s29 =	simm.s32 $0x5;
	s30 =	simm.s32 $0x8;
	s31 =	simm.s32 $0x200  }
0xb: {  	s5 =	sand.u32 $0x1, s5;
	s6 =	sshll.u32 s9, $0x1;
	[smem:$0x7FF] =	sst s3  }
0xc: {  	s25 =	sshll.u32 s9, $0x6;
	s7 =	sor.u32 s5, s6;
	_ =	strace $0x80000047  }
0xd: {  	s5 =	ssub.s32 $0x2, s5;
	s9 =	smin.u32 s25, $0x3A8;
	s6 =	sshll.u32 s7, $0x4  }
0xe: {  	s23 =	sshrl.u32 s5, $0x1;
	s24 =	sshll.u32 s7, $0xD;
	s7 =	sshll.u32 s7, $0x6  }
0xf: {  	s10 =	sshll.u32 s9, $0x7;
	s9 =	sshll.u32 s9, $0x4;
	s11 =	sadd.s32 s6, s4  }
0x10: {  	s12 =	ssub.s32 s5, s23;
	s4 =	sadd.s32 s0, s24;
	s7 =	sadd.s32 s1, s7  }
0x11: {  	s26 =	sadd.s32 s10, s2;
	s8 =	sadd.s32 s8, s9;
	s9 =	sor.u32 $0x1C02, s25  }
0x12: {  	s23 =	simm.s32 $0x3;
	s24 =	simm.s32 $0x6;
	s25 =	simm.s32 $0x180  }
0x13: {  	s0 =	simm.s32 $0x1;
	s1 =	simm.s32 $0x0;
	s5 =	sadd.s32 $0x800, s4  }
0x14: {  	s6 =	sadd.s32 $0x1000, s4;
	s10 =	sadd.s32 $0x1800, s4;
	s11 =	sadd.s32 $0x400, s11  }
0x15: {  	s12 =	smax.u32 s12, $0x1;
	s16 =	sshrl.u32 s26, $0x3;
	s26 =	simm.s32 $0x4  }
.LBB2_1:
0x16: {  	[tilespmem:s13], [sflag:$0x3] =	stream.linear.gather [hbm4b:s4+s3], $0x4000, $0x38;
	[tilespmem:$0x1A1C0] =	vst v63  }
0x17: {  	s14 =	simm.s32 $0x61C0  }
0x18: {  	[tilespmem:s14], [sflag:$0x4] =	stream.linear.gather [hbm4b:s5+s3], $0x4000, $0x38;
	[tilespmem:$0x1A1C0] =	vst v63  }
0x19: {  	s15 =	simm.s32 $0xA1C0  }
0x1a: {  	[tilespmem:s15], [sflag:$0x5] =	stream.linear.gather [hbm4b:s6+s3], $0x4000, $0x38;
	[tilespmem:$0x1A1C0] =	vst v63  }
0x1b: {  	_ = 	snop  }
0x1c: {  	[tilespmem:s3], [sflag:$0x2] =	stream.linear.gather [hbm4b:s7+s3], $0x200, $0x38;
	[tilespmem:$0x1A1C0] =	vst v63  }
0x1d: {  	[spmem:s16], [sflag:s9] =	dma.local [hbm:s8], $0x400  }
0x1e: {  	_ =	swait.ge [sflag:s17], $0x200  }
0x1f: {  	[sflag:s17] =	ssyncset.done $0x0  }
0x20: {  	[sflag:s17] =	ssyncadd.s32 $0xFFFFFE00  }
0x21: {  	_ =	swait.ge [sflag:s17], $0x400  }
0x22: {  	[sflag:s17] =	ssyncset.done $0x0  }
0x23: {  	[sflag:s17] =	ssyncadd.s32 $0xFFFFFC00  }
0x24: {  	[bflag:$0x0] =	sbarrier.arrive $0xFFFF  }
0x25: {  	[tilespmem:s19], [sflag:$0x6] =	stream.indirect.gather [spmem:s2], $0x80, s3, s18, $0xb8;
	[tilespmem:$0x1A1C0] =	vst v63  }
0x26: {  	_ = 	snop  }
0x27: {  	[tilespmem:s20], [sflag:$0x7] =	stream.indirect.gather [spmem:s2], $0x80, s18, s18, $0xb8;
	[tilespmem:$0x1A1C0] =	vst v63  }
0x28: {  	_ = 	snop  }
0x29: {  	[tilespmem:s22], [sflag:$0x8] =	stream.indirect.gather [spmem:s2], $0x80, s21, s18, $0xb8;
	[tilespmem:$0x1A1C0] =	vst v63  }
0x2a: {  	_ =	swait.ge [sflag:s23], $0x4000  }
0x2b: {  	[sflag:s23] =	ssyncset.done $0x0  }
0x2c: {  	[sflag:s23] =	ssyncadd.s32 $0xFFFFC000  }
0x2d: {  	_ =	swait.ge [sflag:s24], $0x4000  }
0x2e: {  	[sflag:s24] =	ssyncset.done $0x0  }
0x2f: {  	s15 =	simm.s32 $0x0;
	[sflag:s24] =	ssyncadd.s32 $0xFFFFC000  }
0x30: {  	v0 =	vld [tilespmem:s15+$0x2230]  }
0x31: {  	v1 =	vld [tilespmem:s15+$0xE230]  }
0x32: {  	v2 =	vld [tilespmem:s15+$0x21C0]  }
0x33: {  	v3 =	vld [tilespmem:s15+$0xE1C0]  }
0x34: {  	v4 =	vld [tilespmem:s15+$0x21D0]  }
0x35: {  	v5 =	vld [tilespmem:s15+$0xE1D0]  }
0x36: {  	v6 =	vld [tilespmem:s15+$0x21E0]  }
0x37: {  	v7 =	vld [tilespmem:s15+$0xE1E0]  }
0x38: {  	v9 =	vld [tilespmem:s15+$0x21F0]  }
0x39: {  	v10 =	vld [tilespmem:s15+$0xE1F0];
	_ =	sdelay $0x2  }
0x3a: {  	v14 =	vld [tilespmem:s15+$0x2200];
	v0 =	vsub.f32 v0, v1;
	v1 =	vsub.f32 v2, v3  }
0x3b: {  	v2 =	vsub.f32 v4, v5;
	v5 =	vld [tilespmem:s15+$0xE200];
	v3 =	vsub.f32 v6, v7  }
0x3c: {  	v8 =	vld [tilespmem:s15+$0x2210];
	v4 =	vimm.f32 $0.0e+00;
	v6 =	vsub.f32 v9, v10;
	v0 =	vmul.f32 v0, v0  }
0x3d: {  	v11 =	vld [tilespmem:s15+$0xE210];
	v7 =	vimm.f32 $0.0e+00;
	v1 =	vmul.f32 v1, v1;
	v2 =	vmul.f32 v2, v2  }
0x3e: {  	v12 =	vld [tilespmem:s15+$0xE220];
	v3 =	vmul.f32 v3, v3;
	v13 =	vmul.f32 v6, v6;
	v0 =	vadd.f32 v0, v4  }
0x3f: {  	s14 =	simm.s32 $0x80;
	v9 =	vld [tilespmem:s15+$0x2220];
	v6 =	vimm.f32 $0.0e+00;
	v1 =	vadd.f32 v1, v4;
	v2 =	vadd.f32 v2, v4  }
0x40: {  	v10 =	vld [tilespmem:s14+$0x2230];
	s15 =	simm.s32 $0x400;
	v3 =	vadd.f32 v3, v4;
	v14 =	vsub.f32 v14, v5;
	v5 =	vimm.f32 $0.0e+00  }
.LBB2_2:
0x41: {  	p0 =	sne.s32 s15, $0xFE00;
	v15 =	vld [tilespmem:s14+$0xE230]  }
0x42: {  	v16 =	vld [tilespmem:s14+$0x21C0];
	v4 =	vadd.f32 v13, v4;
	v13 =	vmul.f32 v14, v14;
	v8 =	vsub.f32 v8, v11  }
0x43: {  	v11 =	vld [tilespmem:s14+$0xE1C0]  }
0x44: {  	v14 =	vld [tilespmem:s14+$0x21D0];
	v7 =	vadd.f32 v13, v7;
	v8 =	vmul.f32 v8, v8;
	v9 =	vsub.f32 v9, v12  }
0x45: {  	v12 =	vld [tilespmem:s14+$0xE1D0]  }
0x46: {  	v13 =	vld [tilespmem:s14+$0x21E0];
	v10 =	vsub.f32 v10, v15;
	v6 =	vadd.f32 v8, v6;
	v8 =	vmul.f32 v9, v9  }
0x47: {  	v9 =	vld [tilespmem:s14+$0xE1E0]  }
0x48: {  	v11 =	vsub.f32 v16, v11;
	v15 =	vld [tilespmem:s14+$0x21F0];
	v10 =	vmul.f32 v10, v10;
	v5 =	vadd.f32 v8, v5  }
0x49: {  	v16 =	vld [tilespmem:s14+$0xE1F0]  }
0x4a: {  	v8 =	vmul.f32 v11, v11;
	v11 =	vsub.f32 v14, v12;
	v14 =	vld [tilespmem:s14+$0x2200];
	v0 =	vadd.f32 v10, v0  }
0x4b: {  	v17 =	vld [tilespmem:s14+$0xE200]  }
.Ltmp0:
0x4c: {  	v1 =	vadd.f32 v8, v1;
	v10 =	vmul.f32 v11, v11;
	v9 =	vsub.f32 v13, v9;
	v8 =	vld [tilespmem:s14+$0x2210];
	(pc) =	sbr.rel @p0 .LBB2_2-.Ltmp0, $4  }
0x4d: {  	v11 =	vld [tilespmem:s14+$0xE210]  }
0x4e: {  	v2 =	vadd.f32 v10, v2;
	v13 =	vmul.f32 v9, v9;
	v15 =	vsub.f32 v15, v16;
	v9 =	vld [tilespmem:s14+$0x2220]  }
0x4f: {  	v12 =	vld [tilespmem:s14+$0xE220];
	s14 =	sshra.s32 s15, $0x2  }
0x50: {  	s15 =	sadd.s32 $0x200, s15;
	v10 =	vld [tilespmem:s14+$0x2230];
	v3 =	vadd.f32 v13, v3;
	v13 =	vmul.f32 v15, v15;
	v14 =	vsub.f32 v14, v17  }
0x51: {  	v15 =	vld [tilespmem:s14+$0xE230]  }
0x52: {  	v16 =	vld [tilespmem:s14+$0x21C0]  }
0x53: {  	v17 =	vld [tilespmem:s14+$0xE1C0]  }
0x54: {  	v18 =	vld [tilespmem:s14+$0x21D0]  }
0x55: {  	v19 =	vld [tilespmem:s14+$0xE1D0]  }
0x56: {  	v20 =	vld [tilespmem:s14+$0x21E0]  }
0x57: {  	v21 =	vld [tilespmem:s14+$0xE1E0]  }
0x58: {  	v22 =	vld [tilespmem:s14+$0x21F0]  }
0x59: {  	v23 =	vld [tilespmem:s14+$0xE1F0]  }
0x5a: {  	v24 =	vld [tilespmem:s14+$0x2200]  }
0x5b: {  	v25 =	vld [tilespmem:s14+$0xE200]  }
0x5c: {  	v26 =	vld [tilespmem:s14+$0x2210]  }
0x5d: {  	v27 =	vld [tilespmem:s14+$0xE210]  }
0x5e: {  	v28 =	vld [tilespmem:s14+$0x2220];
	s15 =	simm.s32 $0x0  }
0x5f: {  	v29 =	vld [tilespmem:s14+$0xE220];
	[tilespmem:s13], [sflag:$0x3] =	stream.linear.gather [hbm4b:s10+s15], $0x4000, $0x38  }
0x60: {  	_ = 	snop  }
0x61: {  	[tilespmem:s19], [sflag:$0x6] =	stream.indirect.gather [spmem:s2], $0x80, s25, s18, $0xb8;
	[tilespmem:$0x1A1C0] =	vst v63  }
0x62: {  	_ =	swait.ge [sflag:s26], $0x4000  }
0x63: {  	[sflag:s26] =	ssyncset.done $0x0  }
0x64: {  	[sflag:s26] =	ssyncadd.s32 $0xFFFFC000  }
0x65: {  	_ =	swait.ge [sflag:s28], $0x4000  }
0x66: {  	v8 =	vsub.f32 v8, v11;
	[sflag:s28] =	ssyncset.done $0x0  }
0x67: {  	v11 =	vmul.f32 v14, v14;
	s15 =	simm.s32 $0x0;
	[sflag:s28] =	ssyncadd.s32 $0xFFFFC000  }
0x68: {  	v8 =	vmul.f32 v8, v8;
	v9 =	vsub.f32 v9, v12;
	v12 =	vld [tilespmem:s15+$0x6230]  }
0x69: {  	v4 =	vadd.f32 v13, v4;
	v7 =	vadd.f32 v11, v7;
	v11 =	vld [tilespmem:s15+$0x12230]  }
0x6a: {  	v10 =	vsub.f32 v10, v15;
	v6 =	vadd.f32 v8, v6;
	v8 =	vmul.f32 v9, v9;
	v9 =	vld [tilespmem:s15+$0x61C0]  }
0x6b: {  	v13 =	vsub.f32 v16, v17;
	v14 =	vsub.f32 v18, v19;
	v15 =	vld [tilespmem:s15+$0x121C0]  }
0x6c: {  	v5 =	vadd.f32 v8, v5;
	v8 =	vmul.f32 v10, v10;
	v10 =	vsub.f32 v20, v21;
	v54 =	vld [tilespmem:s15+$0x61D0]  }
0x6d: {  	v55 =	vsub.f32 v22, v23;
	v13 =	vmul.f32 v13, v13;
	v14 =	vmul.f32 v14, v14;
	v56 =	vld [tilespmem:s15+$0x121D0]  }
0x6e: {  	v57 =	vadd.f32 v8, v0;
	v0 =	vmul.f32 v10, v10;
	v8 =	vsub.f32 v24, v25;
	v10 =	vld [tilespmem:s15+$0x61E0]  }
0x6f: {  	v13 =	vadd.f32 v13, v1;
	v14 =	vadd.f32 v14, v2;
	v1 =	vmul.f32 v55, v55;
	v2 =	vld [tilespmem:s15+$0x121E0]  }
0x70: {  	v59 =	vld [tilespmem:s15+$0x61F0];
	v58 =	vadd.f32 v0, v3;
	v3 =	vmul.f32 v8, v8;
	v8 =	vsub.f32 v26, v27  }
0x71: {  	v60 =	vld [tilespmem:s15+$0x121F0];
	v0 =	vadd.f32 v1, v4;
	v1 =	vsub.f32 v28, v29  }
0x72: {  	v61 =	vld [tilespmem:s15+$0x6200];
	v4 =	vadd.f32 v3, v7;
	v3 =	vmul.f32 v8, v8;
	v8 =	vsub.f32 v12, v11  }
0x73: {  	v1 =	vmul.f32 v1, v1;
	v9 =	vsub.f32 v9, v15;
	v11 =	vsub.f32 v54, v56;
	v15 =	vld [tilespmem:s15+$0x12200]  }
0x74: {  	v7 =	vadd.f32 v3, v6;
	v2 =	vsub.f32 v10, v2;
	v3 =	vmul.f32 v8, v8;
	v8 =	vld [tilespmem:s15+$0x6210]  }
0x75: {  	v6 =	vadd.f32 v1, v5;
	v5 =	vmul.f32 v9, v9;
	v10 =	vmul.f32 v11, v11;
	v11 =	vld [tilespmem:s15+$0x12210]  }
0x76: {  	v63 =	vsub.f32 v59, v60;
	v12 =	vld [tilespmem:s15+$0x12220];
	v62 =	vmul.f32 v2, v2;
	v1 =	vadd.f32 v3, v57  }
0x77: {  	s14 =	simm.s32 $0x80;
	v9 =	vld [tilespmem:s15+$0x6220];
	v2 =	vadd.f32 v5, v13;
	v3 =	vadd.f32 v10, v14  }
0x78: {  	s15 =	simm.s32 $0x400;
	v10 =	vld [tilespmem:s14+$0x6230];
	v5 =	vadd.f32 v62, v58;
	v13 =	vmul.f32 v63, v63;
	v14 =	vsub.f32 v61, v15  }
.LBB2_4:
0x79: {  	p0 =	sne.s32 s15, $0xFE00;
	v15 =	vld [tilespmem:s14+$0x12230]  }
0x7a: {  	v16 =	vld [tilespmem:s14+$0x61C0];
	v0 =	vadd.f32 v13, v0;
	v13 =	vmul.f32 v14, v14;
	v8 =	vsub.f32 v8, v11  }
0x7b: {  	v11 =	vld [tilespmem:s14+$0x121C0]  }
0x7c: {  	v14 =	vld [tilespmem:s14+$0x61D0];
	v4 =	vadd.f32 v13, v4;
	v8 =	vmul.f32 v8, v8;
	v9 =	vsub.f32 v9, v12  }
0x7d: {  	v12 =	vld [tilespmem:s14+$0x121D0]  }
0x7e: {  	v13 =	vld [tilespmem:s14+$0x61E0];
	v10 =	vsub.f32 v10, v15;
	v7 =	vadd.f32 v8, v7;
	v8 =	vmul.f32 v9, v9  }
0x7f: {  	v9 =	vld [tilespmem:s14+$0x121E0]  }
0x80: {  	v11 =	vsub.f32 v16, v11;
	v15 =	vld [tilespmem:s14+$0x61F0];
	v10 =	vmul.f32 v10, v10;
	v6 =	vadd.f32 v8, v6  }
0x81: {  	v16 =	vld [tilespmem:s14+$0x121F0]  }
0x82: {  	v8 =	vmul.f32 v11, v11;
	v11 =	vsub.f32 v14, v12;
	v14 =	vld [tilespmem:s14+$0x6200];
	v1 =	vadd.f32 v10, v1  }
0x83: {  	v17 =	vld [tilespmem:s14+$0x12200]  }
.Ltmp1:
0x84: {  	v2 =	vadd.f32 v8, v2;
	v10 =	vmul.f32 v11, v11;
	v9 =	vsub.f32 v13, v9;
	v8 =	vld [tilespmem:s14+$0x6210];
	(pc) =	sbr.rel @p0 .LBB2_4-.Ltmp1, $4  }
0x85: {  	v11 =	vld [tilespmem:s14+$0x12210]  }
0x86: {  	v3 =	vadd.f32 v10, v3;
	v13 =	vmul.f32 v9, v9;
	v15 =	vsub.f32 v15, v16;
	v9 =	vld [tilespmem:s14+$0x6220]  }
0x87: {  	v12 =	vld [tilespmem:s14+$0x12220];
	s14 =	sshra.s32 s15, $0x2  }
0x88: {  	s15 =	sadd.s32 $0x200, s15;
	v10 =	vld [tilespmem:s14+$0x6230];
	v5 =	vadd.f32 v13, v5;
	v13 =	vmul.f32 v15, v15;
	v14 =	vsub.f32 v14, v17  }
0x89: {  	v15 =	vld [tilespmem:s14+$0x12230]  }
0x8a: {  	v16 =	vld [tilespmem:s14+$0x61C0]  }
0x8b: {  	v17 =	vld [tilespmem:s14+$0x121C0]  }
0x8c: {  	v18 =	vld [tilespmem:s14+$0x61D0]  }
0x8d: {  	v19 =	vld [tilespmem:s14+$0x121D0]  }
0x8e: {  	v20 =	vld [tilespmem:s14+$0x61E0]  }
0x8f: {  	v21 =	vld [tilespmem:s14+$0x121E0]  }
0x90: {  	v22 =	vld [tilespmem:s14+$0x61F0]  }
0x91: {  	v23 =	vld [tilespmem:s14+$0x121F0]  }
0x92: {  	v24 =	vld [tilespmem:s14+$0x6200]  }
0x93: {  	v25 =	vld [tilespmem:s14+$0x12200]  }
0x94: {  	v26 =	vld [tilespmem:s14+$0x6210]  }
0x95: {  	v27 =	vld [tilespmem:s14+$0x12210]  }
0x96: {  	v28 =	vld [tilespmem:s14+$0x6220]  }
0x97: {  	v29 =	vld [tilespmem:s14+$0x12220];
	_ =	swait.ge [sflag:s29], $0x4000  }
0x98: {  	[sflag:s29] =	ssyncset.done $0x0  }
0x99: {  	[sflag:s29] =	ssyncadd.s32 $0xFFFFC000  }
0x9a: {  	_ =	swait.ge [sflag:s30], $0x4000  }
0x9b: {  	v8 =	vsub.f32 v8, v11;
	[sflag:s30] =	ssyncset.done $0x0  }
0x9c: {  	s15 =	simm.s32 $0x0;
	v11 =	vmul.f32 v14, v14;
	[sflag:s30] =	ssyncadd.s32 $0xFFFFC000  }
0x9d: {  	v8 =	vmul.f32 v8, v8;
	v9 =	vsub.f32 v9, v12;
	v12 =	vld [tilespmem:s15+$0xA230]  }
0x9e: {  	v4 =	vadd.f32 v11, v4;
	v11 =	vld [tilespmem:s15+$0x16230]  }
0x9f: {  	v7 =	vadd.f32 v8, v7;
	v8 =	vmul.f32 v9, v9;
	v9 =	vld [tilespmem:s15+$0xA1C0]  }
0xa0: {  	v0 =	vadd.f32 v13, v0;
	v10 =	vsub.f32 v10, v15;
	v15 =	vld [tilespmem:s15+$0x161C0]  }
0xa1: {  	v13 =	vsub.f32 v16, v17;
	v14 =	vsub.f32 v18, v19;
	v56 =	vld [tilespmem:s15+$0xA1D0]  }
0xa2: {  	v58 =	vld [tilespmem:s15+$0x161D0];
	v6 =	vadd.f32 v8, v6;
	v8 =	vmul.f32 v10, v10;
	v10 =	vsub.f32 v20, v21  }
0xa3: {  	v57 =	vsub.f32 v22, v23;
	v59 =	vld [tilespmem:s15+$0xA1E0];
	v13 =	vmul.f32 v13, v13;
	v14 =	vmul.f32 v14, v14  }
0xa4: {  	v60 =	vld [tilespmem:s15+$0xA1F0];
	v1 =	vadd.f32 v8, v1;
	v8 =	vmul.f32 v10, v10;
	v10 =	vsub.f32 v24, v25  }
0xa5: {  	v2 =	vadd.f32 v13, v2;
	v3 =	vadd.f32 v14, v3;
	v13 =	vmul.f32 v57, v57;
	v14 =	vld [tilespmem:s15+$0x161E0]  }
0xa6: {  	v61 =	vld [tilespmem:s15+$0x161F0];
	v5 =	vadd.f32 v8, v5;
	v8 =	vmul.f32 v10, v10;
	v10 =	vsub.f32 v26, v27  }
0xa7: {  	v62 =	vld [tilespmem:s15+$0xA200];
	v0 =	vadd.f32 v13, v0;
	v13 =	vsub.f32 v28, v29  }
0xa8: {  	v9 =	vsub.f32 v9, v15;
	v15 =	vld [tilespmem:s15+$0x16200];
	v4 =	vadd.f32 v8, v4;
	v8 =	vmul.f32 v10, v10  }
0xa9: {  	v10 =	vsub.f32 v12, v11;
	v11 =	vmul.f32 v13, v13;
	v12 =	vsub.f32 v56, v58  }
0xaa: {  	v13 =	vsub.f32 v59, v14;
	v14 =	vmul.f32 v9, v9;
	v7 =	vadd.f32 v8, v7;
	v8 =	vld [tilespmem:s15+$0xA210]  }
0xab: {  	v63 =	vsub.f32 v60, v61;
	v6 =	vadd.f32 v11, v6;
	v12 =	vmul.f32 v12, v12;
	v11 =	vld [tilespmem:s15+$0x16210]  }
0xac: {  	v9 =	vld [tilespmem:s15+$0xA220];
	v10 =	vmul.f32 v10, v10;
	v13 =	vmul.f32 v13, v13;
	v2 =	vadd.f32 v14, v2  }
0xad: {  	s14 =	simm.s32 $0x80;
	v14 =	vsub.f32 v62, v15;
	v3 =	vadd.f32 v12, v3;
	v12 =	vld [tilespmem:s15+$0x16220]  }
0xae: {  	v1 =	vadd.f32 v10, v1;
	v10 =	vld [tilespmem:s14+$0xA230];
	s15 =	simm.s32 $0x400;
	v5 =	vadd.f32 v13, v5;
	v13 =	vmul.f32 v63, v63  }
.LBB2_6:
0xaf: {  	p0 =	sne.s32 s15, $0xFE00;
	v15 =	vld [tilespmem:s14+$0x16230]  }
0xb0: {  	v16 =	vld [tilespmem:s14+$0xA1C0];
	v0 =	vadd.f32 v13, v0;
	v13 =	vmul.f32 v14, v14;
	v8 =	vsub.f32 v8, v11  }
0xb1: {  	v11 =	vld [tilespmem:s14+$0x161C0]  }
0xb2: {  	v14 =	vld [tilespmem:s14+$0xA1D0];
	v4 =	vadd.f32 v13, v4;
	v8 =	vmul.f32 v8, v8;
	v9 =	vsub.f32 v9, v12  }
0xb3: {  	v12 =	vld [tilespmem:s14+$0x161D0]  }
0xb4: {  	v13 =	vld [tilespmem:s14+$0xA1E0];
	v10 =	vsub.f32 v10, v15;
	v7 =	vadd.f32 v8, v7;
	v8 =	vmul.f32 v9, v9  }
0xb5: {  	v9 =	vld [tilespmem:s14+$0x161E0]  }
0xb6: {  	v11 =	vsub.f32 v16, v11;
	v15 =	vld [tilespmem:s14+$0xA1F0];
	v10 =	vmul.f32 v10, v10;
	v6 =	vadd.f32 v8, v6  }
0xb7: {  	v16 =	vld [tilespmem:s14+$0x161F0]  }
0xb8: {  	v8 =	vmul.f32 v11, v11;
	v11 =	vsub.f32 v14, v12;
	v14 =	vld [tilespmem:s14+$0xA200];
	v1 =	vadd.f32 v10, v1  }
0xb9: {  	v17 =	vld [tilespmem:s14+$0x16200]  }
.Ltmp2:
0xba: {  	v2 =	vadd.f32 v8, v2;
	v10 =	vmul.f32 v11, v11;
	v9 =	vsub.f32 v13, v9;
	v8 =	vld [tilespmem:s14+$0xA210];
	(pc) =	sbr.rel @p0 .LBB2_6-.Ltmp2, $4  }
0xbb: {  	v11 =	vld [tilespmem:s14+$0x16210]  }
0xbc: {  	v3 =	vadd.f32 v10, v3;
	v13 =	vmul.f32 v9, v9;
	v15 =	vsub.f32 v15, v16;
	v9 =	vld [tilespmem:s14+$0xA220]  }
0xbd: {  	v12 =	vld [tilespmem:s14+$0x16220];
	s14 =	sshra.s32 s15, $0x2  }
0xbe: {  	s15 =	sadd.s32 $0x200, s15;
	v10 =	vld [tilespmem:s14+$0xA230];
	v5 =	vadd.f32 v13, v5;
	v13 =	vmul.f32 v15, v15;
	v14 =	vsub.f32 v14, v17  }
0xbf: {  	v15 =	vld [tilespmem:s14+$0x16230]  }
0xc0: {  	v16 =	vld [tilespmem:s14+$0xA1C0]  }
0xc1: {  	v17 =	vld [tilespmem:s14+$0x161C0]  }
0xc2: {  	v18 =	vld [tilespmem:s14+$0xA1D0]  }
0xc3: {  	v19 =	vld [tilespmem:s14+$0x161D0]  }
0xc4: {  	v20 =	vld [tilespmem:s14+$0xA1E0]  }
0xc5: {  	v21 =	vld [tilespmem:s14+$0x161E0]  }
0xc6: {  	v22 =	vld [tilespmem:s14+$0xA1F0]  }
0xc7: {  	v23 =	vld [tilespmem:s14+$0x161F0]  }
0xc8: {  	v24 =	vld [tilespmem:s14+$0xA200]  }
0xc9: {  	v25 =	vld [tilespmem:s14+$0x16200]  }
0xca: {  	v26 =	vld [tilespmem:s14+$0xA210]  }
0xcb: {  	v27 =	vld [tilespmem:s14+$0x16210]  }
0xcc: {  	v28 =	vld [tilespmem:s14+$0xA220]  }
0xcd: {  	v29 =	vld [tilespmem:s14+$0x16220];
	_ =	swait.ge [sflag:s23], $0x4000  }
0xce: {  	[sflag:s23] =	ssyncset.done $0x0  }
0xcf: {  	[sflag:s23] =	ssyncadd.s32 $0xFFFFC000  }
0xd0: {  	v8 =	vsub.f32 v8, v11;
	_ =	swait.ge [sflag:s24], $0x4000  }
0xd1: {  	v11 =	vmul.f32 v14, v14;
	[sflag:s24] =	ssyncset.done $0x0  }
0xd2: {  	s15 =	simm.s32 $0x0;
	v8 =	vmul.f32 v8, v8;
	v9 =	vsub.f32 v9, v12;
	[sflag:s24] =	ssyncadd.s32 $0xFFFFC000  }
0xd3: {  	v0 =	vadd.f32 v13, v0;
	v11 =	vadd.f32 v11, v4;
	v12 =	vld [tilespmem:s15+$0x2230]  }
0xd4: {  	v4 =	vsub.f32 v10, v15;
	v7 =	vadd.f32 v8, v7;
	v8 =	vmul.f32 v9, v9;
	v13 =	vld [tilespmem:s15+$0xE230]  }
0xd5: {  	v10 =	vsub.f32 v16, v17;
	v14 =	vsub.f32 v18, v19;
	v9 =	vld [tilespmem:s15+$0x21C0]  }
0xd6: {  	v15 =	vld [tilespmem:s15+$0xE1C0];
	v6 =	vadd.f32 v8, v6;
	v4 =	vmul.f32 v4, v4;
	v8 =	vsub.f32 v20, v21  }
0xd7: {  	v55 =	vsub.f32 v22, v23;
	v54 =	vld [tilespmem:s15+$0x21D0];
	v10 =	vmul.f32 v10, v10  }
0xd8: {  	v56 =	vld [tilespmem:s15+$0xE1D0];
	v14 =	vmul.f32 v14, v14;
	v57 =	vadd.f32 v4, v1;
	v1 =	vmul.f32 v8, v8  }
0xd9: {  	v4 =	vsub.f32 v24, v25;
	v8 =	vld [tilespmem:s15+$0x21E0];
	v58 =	vadd.f32 v10, v2;
	v2 =	vmul.f32 v55, v55  }
0xda: {  	v59 =	vsub.f32 v26, v27;
	v14 =	vadd.f32 v14, v3;
	v10 =	vld [tilespmem:s15+$0xE1E0]  }
0xdb: {  	v60 =	vld [tilespmem:s15+$0x21F0];
	v5 =	vadd.f32 v1, v5;
	v1 =	vmul.f32 v4, v4;
	v4 =	vadd.f32 v2, v0  }
0xdc: {  	v61 =	vld [tilespmem:s15+$0xE1F0];
	v0 =	vsub.f32 v28, v29;
	v9 =	vsub.f32 v9, v15  }
0xdd: {  	v15 =	vld [tilespmem:s15+$0xE200];
	v3 =	vadd.f32 v1, v11;
	v1 =	vmul.f32 v59, v59;
	v11 =	vsub.f32 v12, v13  }
0xde: {  	v13 =	vld [tilespmem:s15+$0x2200];
	v0 =	vmul.f32 v0, v0;
	v12 =	vsub.f32 v54, v56  }
0xdf: {  	v8 =	vsub.f32 v8, v10;
	v10 =	vld [tilespmem:s15+$0x2210];
	v2 =	vadd.f32 v1, v7;
	v7 =	vmul.f32 v11, v11  }
0xe0: {  	v1 =	vadd.f32 v0, v6;
	v6 =	vmul.f32 v9, v9;
	v11 =	vmul.f32 v12, v12;
	v12 =	vld [tilespmem:s15+$0xE210]  }
0xe1: {  	v63 =	vsub.f32 v60, v61;
	v9 =	vld [tilespmem:s15+$0x2220];
	v62 =	vmul.f32 v8, v8;
	v0 =	vadd.f32 v7, v57  }
0xe2: {  	s14 =	simm.s32 $0x80;
	v6 =	vadd.f32 v6, v58;
	v7 =	vadd.f32 v11, v14;
	v11 =	vld [tilespmem:s15+$0xE220]  }
0xe3: {  	v8 =	vld [tilespmem:s14+$0x2230];
	s15 =	simm.s32 $0x400;
	v14 =	vmul.f32 v63, v63;
	v5 =	vadd.f32 v62, v5;
	v13 =	vsub.f32 v13, v15  }
.LBB2_8:
0xe4: {  	p0 =	sne.s32 s15, $0xFE00;
	v15 =	vld [tilespmem:s14+$0xE230]  }
0xe5: {  	v16 =	vld [tilespmem:s14+$0x21C0];
	v4 =	vadd.f32 v14, v4;
	v13 =	vmul.f32 v13, v13;
	v10 =	vsub.f32 v10, v12  }
0xe6: {  	v12 =	vld [tilespmem:s14+$0xE1C0]  }
0xe7: {  	v14 =	vld [tilespmem:s14+$0x21D0];
	v3 =	vadd.f32 v13, v3;
	v10 =	vmul.f32 v10, v10;
	v9 =	vsub.f32 v9, v11  }
0xe8: {  	v11 =	vld [tilespmem:s14+$0xE1D0]  }
0xe9: {  	v13 =	vld [tilespmem:s14+$0x21E0];
	v8 =	vsub.f32 v8, v15;
	v2 =	vadd.f32 v10, v2;
	v9 =	vmul.f32 v9, v9  }
0xea: {  	v10 =	vld [tilespmem:s14+$0xE1E0]  }
0xeb: {  	v12 =	vsub.f32 v16, v12;
	v15 =	vld [tilespmem:s14+$0x21F0];
	v8 =	vmul.f32 v8, v8;
	v1 =	vadd.f32 v9, v1  }
0xec: {  	v9 =	vld [tilespmem:s14+$0xE1F0]  }
0xed: {  	v12 =	vmul.f32 v12, v12;
	v11 =	vsub.f32 v14, v11;
	v16 =	vld [tilespmem:s14+$0x2200];
	v0 =	vadd.f32 v8, v0  }
0xee: {  	v17 =	vld [tilespmem:s14+$0xE200]  }
.Ltmp3:
0xef: {  	v6 =	vadd.f32 v12, v6;
	v8 =	vmul.f32 v11, v11;
	v11 =	vsub.f32 v13, v10;
	v10 =	vld [tilespmem:s14+$0x2210];
	(pc) =	sbr.rel @p0 .LBB2_8-.Ltmp3, $4  }
0xf0: {  	v12 =	vld [tilespmem:s14+$0xE210]  }
0xf1: {  	v7 =	vadd.f32 v8, v7;
	v13 =	vmul.f32 v11, v11;
	v14 =	vsub.f32 v15, v9;
	v9 =	vld [tilespmem:s14+$0x2220]  }
0xf2: {  	v11 =	vld [tilespmem:s14+$0xE220];
	s14 =	sshra.s32 s15, $0x2  }
0xf3: {  	s15 =	sadd.s32 $0x200, s15;
	v8 =	vld [tilespmem:s14+$0x2230];
	v5 =	vadd.f32 v13, v5;
	v14 =	vmul.f32 v14, v14;
	v13 =	vsub.f32 v16, v17  }
0xf4: {  	v15 =	vld [tilespmem:s14+$0x21C0]  }
0xf5: {  	v16 =	vld [tilespmem:s14+$0xE1C0]  }
0xf6: {  	v17 =	vld [tilespmem:s14+$0x21D0]  }
0xf7: {  	v18 =	vld [tilespmem:s14+$0xE1D0]  }
0xf8: {  	v19 =	vld [tilespmem:s14+$0x21E0]  }
0xf9: {  	v20 =	vld [tilespmem:s14+$0xE1E0]  }
0xfa: {  	v21 =	vld [tilespmem:s14+$0x21F0]  }
0xfb: {  	v22 =	vld [tilespmem:s14+$0xE1F0]  }
0xfc: {  	v23 =	vld [tilespmem:s14+$0x2200]  }
0xfd: {  	v44 =	vld [tilespmem:s14+$0xE200];
	v15 =	vsub.f32 v15, v16;
	v43 =	vsub.f32 v17, v18  }
0xfe: {  	v49 =	vld [tilespmem:s14+$0x2210];
	v4 =	vadd.f32 v14, v4  }
0xff: {  	v51 =	vld [tilespmem:s14+$0xE210];
	v48 =	vsub.f32 v19, v20;
	v46 =	vmul.f32 v15, v15;
	v47 =	vmul.f32 v43, v43  }
0x100: {  	v53 =	vld [tilespmem:s14+$0x2220];
	v10 =	vsub.f32 v10, v12;
	v45 =	vmul.f32 v13, v13;
	v50 =	vsub.f32 v21, v22  }
0x101: {  	v55 =	vld [tilespmem:s14+$0xE220];
	v52 =	vmul.f32 v48, v48;
	v6 =	vadd.f32 v46, v6;
	v7 =	vadd.f32 v47, v7  }
0x102: {  	v3 =	vadd.f32 v45, v3;
	v54 =	vsub.f32 v23, v44  }
0x103: {  	v56 =	vld [tilespmem:s14+$0xE230];
	v12 =	vmul.f32 v50, v50;
	v5 =	vadd.f32 v52, v5;
	v6 =	vadd.f32 v7, v6  }
0x104: {  	v9 =	vsub.f32 v9, v11;
	v10 =	vmul.f32 v10, v10;
	v57 =	vsub.f32 v49, v51  }
0x105: {  	v11 =	vmul.f32 v54, v54;
	v4 =	vadd.f32 v12, v4;
	v5 =	vadd.f32 v5, v6  }
0x106: {  	v2 =	vadd.f32 v10, v2;
	v58 =	vmul.f32 v9, v9;
	v60 =	vsub.f32 v53, v55  }
0x107: {  	v59 =	vmul.f32 v57, v57;
	v3 =	vadd.f32 v11, v3;
	v4 =	vadd.f32 v4, v5  }
0x108: {  	v61 =	vsub.f32 v8, v56;
	v1 =	vadd.f32 v58, v1  }
0x109: {  	v62 =	vmul.f32 v60, v60;
	v2 =	vadd.f32 v59, v2;
	v3 =	vadd.f32 v3, v4;
	_ =	sdelay $0x1  }
0x10a: {  	v63 =	vmul.f32 v61, v61;
	v1 =	vadd.f32 v62, v1;
	v2 =	vadd.f32 v2, v3;
	_ =	sdelay $0x1  }
0x10b: {  	v0 =	vadd.f32 v63, v0;
	v1 =	vadd.f32 v1, v2;
	_ =	sdelay $0x1  }
0x10c: {  	s1 =	sadd.s32 $0x1, s1;
	v0 =	vadd.f32 v0, v1  }
0x10d: {  	p0 =	sne.s32 s1, s12  }
.Ltmp4:
0x10e: {  	[tilespmem:$0x200] =	vst v0;
	(pc) =	sbr.rel @p0 .LBB2_1-.Ltmp4, $4  }
0x10f: {  	[hbm4b:s11+s3] =	stream.linear.scatter [tilespmem:s31], [sflag:$0x1], $0x80, $0x38;
	[tilespmem:$0x1A1C0] =	vst v63  }
0x110: {  	_ =	swait.ge [sflag:s0], $0x80  }
0x111: {  	[sflag:s0] =	ssyncset.done $0x0  }
0x112: {  	[sflag:s0] =	ssyncadd.s32 $0xFFFFFF80  }
0x113: {  	_ =	sfence.sel $0x180000  }
0x114: {  	[bflag:$0x0] =	sbarrier.arrive $0xFFFF  }
0x115: {  	_ =	strace $0x90000047  }
0x116: {  	s0 =	stileid.u32;
	[bflag:$0x2] =	sbarrier.arrive $0xFFFF  }
0x117: {  	p0 =	sne.s32 s0, $0x0;
	s0 =	rddreg [dreg:$0x5]  }
0x118: {  	s0 =	sadd.s32 @!p0 $0x100000, s0  }
0x119: {  	[sflag:s0] =	ssyncadd.tile.s32 @!p0 $0x1;
	_ =	shalt  }
.Lfunc_end2:
_tile_overlayer_lowered:
.L_overlay_start_2:
0x11a: {  	(tag) =	ssettag $0x2  }
0x11b: {  	s0 =	rddreg [dreg:$0x0];
	s2 =	stileid.u32  }
0x11c: {  	s1 =	rddreg [dreg:$0x1];
	p0 =	sne.s32 s2, $0x0  }
0x11d: {  	s3 =	rddreg [dreg:$0x2];
	[bflag:$0x3] =	sbarrier.arrive $0xFFFF;
	s2 =	simm.s32 @!p0 $0x1C09  }
0x11e: {  	[timem:s3], [sflag:s2] =	dma.local @!p0 [hbm:s0], s1  }
0x11f: {  	s0 =	simm.s32 @!p0 $0x9  }
0x120: {  	_ =	swait.ge @!p0 [sflag:s0], s1  }
0x121: {  	s1 =	ssub.s32 @!p0 $0x0, s1;
	[sflag:s0] =	ssyncset.done @!p0 $0x0  }
0x122: {  	[sflag:s0] =	ssyncadd.s32 @!p0 s1  }
0x123: {  	[bflag:$0x3] =	sbarrier.arrive $0xFFFF  }
0x124: {  	_ =	shalt  }

</sc_bundles>
